<compile_context>
chip_gen: v7x
topology: tpu7x:2x2x1
jax: 0.10.2.dev20260603
libtpu: 0.0.44.dev20260713+nightly
codegen_flags: <defaults>
</compile_context>

<pallas_src>
import jax
import jax.numpy as jnp
from jax import lax
from jax.experimental import pallas as pl
from jax.experimental.pallas import tpu as pltpu
from jax.experimental.pallas import tpu_sc as plsc

N = 10000
E = 160000
F_IN = 256
HID = 256
OUT = 128

NC = 2
NS = 16
CH = 128
EP = 163840
NPAD = 16
CNTP = 10112

_PREC = jax.lax.Precision.DEFAULT



_RB = 1000


def _silu(v):
    return v * (1.0 / (1.0 + jnp.exp(-v)))


def _ln(v, g, b, eps=1e-5):
    mu = jnp.mean(v, axis=-1, keepdims=True)
    var = jnp.mean((v - mu) * (v - mu), axis=-1, keepdims=True)
    return (v - mu) / jnp.sqrt(var + eps) * g + b


def _dense1_body(x_ref, wl1_ref, wr1_ref, wlin_ref, blin_ref,
                 y1_ref, xr_ref, res_ref):
    xa = x_ref[...]
    y1 = jnp.dot(xa, wl1_ref[...], preferred_element_type=jnp.float32,
                 precision=_PREC)
    y1_ref[0] = y1[:, :HID // 2]
    y1_ref[1] = y1[:, HID // 2:]
    xr_ref[...] = jnp.dot(xa, wr1_ref[...], preferred_element_type=jnp.float32,
                          precision=_PREC)
    res_ref[...] = jnp.dot(xa, wlin_ref[...], preferred_element_type=jnp.float32,
                           precision=_PREC) + blin_ref[...]


def _dense1(x, W_l1, W_r1, W_lin, b_lin2d):
    grid = (N // _RB,)
    return pl.pallas_call(
        _dense1_body,
        grid=grid,
        in_specs=[
            pl.BlockSpec((_RB, F_IN), lambda i: (i, 0)),
            pl.BlockSpec((F_IN, HID), lambda i: (0, 0)),
            pl.BlockSpec((F_IN, HID), lambda i: (0, 0)),
            pl.BlockSpec((F_IN, HID), lambda i: (0, 0)),
            pl.BlockSpec((1, HID), lambda i: (0, 0)),
        ],
        out_specs=[
            pl.BlockSpec((NC, _RB, HID // NC), lambda i: (0, i, 0)),
            pl.BlockSpec((_RB, HID), lambda i: (i, 0)),
            pl.BlockSpec((_RB, HID), lambda i: (i, 0)),
        ],
        out_shape=[
            jax.ShapeDtypeStruct((NC, N, HID // NC), jnp.float32),
            jax.ShapeDtypeStruct((N, HID), jnp.float32),
            jax.ShapeDtypeStruct((N, HID), jnp.float32),
        ],
    )(x, W_l1, W_r1, W_lin, b_lin2d)


def _dense2_body(agg_ref, cnt_ref, xr_ref, res_ref, bl1_ref, g1_ref, be1_ref,
                 g2_ref, be2_ref, wl2_ref, wr2_ref, y2_ref, hr_ref):
    cm = jnp.maximum(cnt_ref[...], 1.0)
    mean = jnp.concatenate([agg_ref[0], agg_ref[1]], axis=-1) / cm
    h = mean + bl1_ref[...] + xr_ref[...]
    h = _silu(h)
    h = _ln(h, g1_ref[...], be1_ref[...])
    h = res_ref[...] + h
    h = _silu(h)
    h = _ln(h, g2_ref[...], be2_ref[...])
    y2 = jnp.dot(h, wl2_ref[...], preferred_element_type=jnp.float32,
                 precision=_PREC)
    y2_ref[0] = y2
    y2_ref[1] = y2
    hr_ref[...] = jnp.dot(h, wr2_ref[...], preferred_element_type=jnp.float32,
                          precision=_PREC)


def _dense2(agg1, cnt, xr, res, b_l1, g1, be1, g2, be2, W_l2, W_r2):
    grid = (N // _RB,)
    vec = lambda: pl.BlockSpec((1, HID), lambda i: (0, 0))
    return pl.pallas_call(
        _dense2_body,
        grid=grid,
        in_specs=[
            pl.BlockSpec((NC, _RB, HID // NC), lambda i: (0, i, 0)),
            pl.BlockSpec((_RB, 1), lambda i: (i, 0)),
            pl.BlockSpec((_RB, HID), lambda i: (i, 0)),
            pl.BlockSpec((_RB, HID), lambda i: (i, 0)),
            vec(), vec(), vec(), vec(), vec(),
            pl.BlockSpec((HID, OUT), lambda i: (0, 0)),
            pl.BlockSpec((HID, OUT), lambda i: (0, 0)),
        ],
        out_specs=[
            pl.BlockSpec((NC, _RB, OUT), lambda i: (0, i, 0)),
            pl.BlockSpec((_RB, OUT), lambda i: (i, 0)),
        ],
        out_shape=[
            jax.ShapeDtypeStruct((NC, N, OUT), jnp.float32),
            jax.ShapeDtypeStruct((N, OUT), jnp.float32),
        ],
    )(agg1, cnt, xr, res, b_l1, g1, be1, g2, be2, W_l2, W_r2)


def _dense3_body(agg_ref, cnt_ref, hr_ref, bl2_ref, go_ref, beo_ref, out_ref):
    cm = jnp.maximum(cnt_ref[...], 1.0)
    mean = (agg_ref[0] + agg_ref[1]) / cm
    h = mean + bl2_ref[...] + hr_ref[...]
    out_ref[...] = _ln(h, go_ref[...], beo_ref[...])


def _dense3(agg2, cnt, hr, b_l2, g_out, be_out):
    grid = (N // _RB,)
    vec = lambda: pl.BlockSpec((1, OUT), lambda i: (0, 0))
    return pl.pallas_call(
        _dense3_body,
        grid=grid,
        in_specs=[
            pl.BlockSpec((NC, _RB, OUT), lambda i: (0, i, 0)),
            pl.BlockSpec((_RB, 1), lambda i: (i, 0)),
            pl.BlockSpec((_RB, OUT), lambda i: (i, 0)),
            vec(), vec(), vec(),
        ],
        out_specs=pl.BlockSpec((_RB, OUT), lambda i: (i, 0)),
        out_shape=jax.ShapeDtypeStruct((N, OUT), jnp.float32),
    )(agg2, cnt, hr, b_l2, g_out, be_out)



def _make_seg(d, with_cnt, split):
    per_core = (EP // CH) // (1 if split == "feat" else NC)
    base = per_core // NS
    pblk = 40
    nph = base // pblk
    assert base == nph * pblk
    rq = (N // NS) // 8 * 8
    tail = N - rq * NS

    mesh = plsc.VectorSubcoreMesh(core_axis_name="c", subcore_axis_name="s",
                                  num_cores=NC, num_subcores=NS)

    out_type = [jax.ShapeDtypeStruct((NC, N, d), jnp.float32)]
    scratch = [
        pltpu.VMEM((pblk, CH), jnp.int32),
        pltpu.VMEM((pblk, CH), jnp.int32),
        pltpu.VMEM((CH, d), jnp.float32),
        pltpu.VMEM((CH, d), jnp.float32),
        pltpu.VMEM_SHARED((N + NPAD, d), jnp.float32),
        pltpu.SemaphoreType.DMA,
        pltpu.SemaphoreType.DMA,
        pltpu.SemaphoreType.DMA,
        pltpu.SemaphoreType.DMA,
        pltpu.SemaphoreType.DMA,
    ]
    if with_cnt:
        out_type.append(jax.ShapeDtypeStruct((NC, CNTP), jnp.float32))
        scratch += [
            pltpu.VMEM((5 * CH,), jnp.float32),
            pltpu.VMEM_SHARED((CNTP,), jnp.float32),
        ]
    cq = [5 * CH] * (NS - 1) + [CNTP - 5 * CH * (NS - 1)]
    assert cq[-1] > 0 and cq[-1] % CH == 0

    def body(tbl, src3, dst3, zer, out, *rest):
        if with_cnt:
            (cnt_out, sidx, didx, rbufa, rbufb, acc, sga, sgb, ssa, ssb, semc,
             ones, cacc) = rest
        else:
            sidx, didx, rbufa, rbufb, acc, sga, sgb, ssa, ssb, semc = rest
        c = lax.axis_index("c")
        s = lax.axis_index("s")
        start = s * base


        pltpu.sync_copy(zer.at[pl.ds(s * rq, rq)], acc.at[pl.ds(s * rq, rq)])
        @pl.when(s == NS - 1)
        def _():
            pltpu.sync_copy(zer.at[pl.ds(NS * rq, tail)],
                            acc.at[pl.ds(NS * rq, tail)])
        if with_cnt:
            def fill(i, _):
                ones[pl.ds(i * 16, 16)] = jnp.where(
                    i < CH // 16, 1.0, 0.0) * jnp.ones((16,), jnp.float32)
                return 0
            lax.fori_loop(0, 5 * CH // 16, fill, 0, unroll=False)
            @pl.when(s < NS - 1)
            def _():
                pltpu.sync_copy(ones.at[pl.ds(CH, 4 * CH)],
                                cacc.at[pl.ds(s * 5 * CH, 4 * CH)])
                pltpu.sync_copy(ones.at[pl.ds(CH, CH)],
                                cacc.at[pl.ds(s * 5 * CH + 4 * CH, CH)])
            @pl.when(s == NS - 1)
            def _():
                pltpu.sync_copy(ones.at[pl.ds(CH, 4 * CH)],
                                cacc.at[pl.ds((NS - 1) * 5 * CH, 4 * CH)])

        plsc.subcore_barrier()

        for ph in range(nph):
            pltpu.sync_copy(src3.at[c, pl.ds(start + ph * pblk, pblk)], sidx)
            pltpu.sync_copy(dst3.at[c, pl.ds(start + ph * pblk, pblk)], didx)
            pltpu.async_copy(tbl.at[sidx.at[0]], rbufa, sga)

            def chunk(j, _):
                def work(cur, oth, sg_c, ss_c, sg_o, ss_o):
                    @pl.when(j >= 1)
                    def _():
                        pltpu.make_async_copy(
                            oth, acc.at[didx.at[0]], ss_o).wait()
                    @pl.when(j < pblk - 1)
                    def _():
                        pltpu.async_copy(tbl.at[sidx.at[j + 1]], oth, sg_o)
                    pltpu.make_async_copy(tbl.at[sidx.at[j]], cur, sg_c).wait()
                    pltpu.async_copy(cur, acc.at[didx.at[j]], ss_c, add=True)
                @pl.when(lax.rem(j, 2) == 0)
                def _():
                    work(rbufa, rbufb, sga, ssa, sgb, ssb)
                @pl.when(lax.rem(j, 2) == 1)
                def _():
                    work(rbufb, rbufa, sgb, ssb, sga, ssa)
                if with_cnt:
                    @pl.when(c == ph % NC)
                    def _():
                        @pl.when(j >= 1)
                        def _():
                            pltpu.make_async_copy(
                                ones.at[pl.ds(0, CH)], cacc.at[didx.at[0]],
                                semc).wait()
                        pltpu.async_copy(ones.at[pl.ds(0, CH)],
                                         cacc.at[didx.at[j]], semc, add=True)
                return 0

            lax.fori_loop(0, pblk, chunk, 0, unroll=False)

            last = rbufb if (pblk - 1) % 2 else rbufa
            lsem = ssb if (pblk - 1) % 2 else ssa
            pltpu.make_async_copy(last, acc.at[didx.at[0]], lsem).wait()
            if with_cnt:
                @pl.when(c == ph % NC)
                def _():
                    pltpu.make_async_copy(ones.at[pl.ds(0, CH)],
                                          cacc.at[didx.at[0]], semc).wait()

        plsc.subcore_barrier()

        pltpu.sync_copy(acc.at[pl.ds(s * rq, rq)],
                        out.at[c, pl.ds(s * rq, rq)])
        @pl.when(s == NS - 1)
        def _():
            pltpu.sync_copy(acc.at[pl.ds(NS * rq, tail)],
                            out.at[c, pl.ds(NS * rq, tail)])
        if with_cnt:
            @pl.when(s < NS - 1)
            def _():
                pltpu.sync_copy(cacc.at[pl.ds(s * 5 * CH, 5 * CH)],
                                cnt_out.at[c, pl.ds(s * 5 * CH, 5 * CH)])
            @pl.when(s == NS - 1)
            def _():
                pltpu.sync_copy(cacc.at[pl.ds((NS - 1) * 5 * CH, 4 * CH)],
                                cnt_out.at[c, pl.ds((NS - 1) * 5 * CH, 4 * CH)])

    return pl.kernel(body, out_type=out_type, mesh=mesh, scratch_types=scratch)



def kernel(x, edge_index, W_lin, b_lin, W_l1, b_l1, W_r1, W_l2, b_l2, W_r2,
           g1, be1, g2, be2, g_out, be_out):
    src = edge_index[0].astype(jnp.int32)
    dst = edge_index[1].astype(jnp.int32)
    nch_all = EP // CH
    pad_per = CH - E // nch_all
    dsrc = jnp.zeros((nch_all, pad_per), jnp.int32)
    ddst = N + (jnp.arange(nch_all * pad_per, dtype=jnp.int32)
                % NPAD).reshape(nch_all, pad_per)
    src = jnp.concatenate([src.reshape(nch_all, CH - pad_per), dsrc], axis=1)
    dst = jnp.concatenate([dst.reshape(nch_all, CH - pad_per), ddst], axis=1)
    src = src.reshape(EP)
    dst = dst.reshape(EP)
    src3 = jnp.stack([src, src + N]).reshape(NC, EP // CH, CH)
    dst3 = jnp.tile(dst.reshape(1, EP // CH, CH), (NC, 1, 1))
    src3e = (src.reshape(NC, EP // CH // NC, CH)
             + (jnp.arange(NC, dtype=jnp.int32) * N)[:, None, None])
    dst3e = dst.reshape(NC, EP // CH // NC, CH)

    zers = jnp.zeros((N + NPAD, HID // NC), jnp.float32)

    y1t, xr, res = _dense1(x, W_l1, W_r1, W_lin, b_lin.reshape(1, HID))
    agg1, cnt2 = _make_seg(HID // NC, True, "feat")(
        y1t.reshape(NC * N, HID // NC), src3, dst3, zers)
    cnt = (cnt2[0] + cnt2[1])[:N].reshape(N, 1)
    y2, hr = _dense2(agg1, cnt, xr, res,
                     b_l1.reshape(1, HID), g1.reshape(1, HID),
                     be1.reshape(1, HID), g2.reshape(1, HID),
                     be2.reshape(1, HID), W_l2, W_r2)
    (agg2,) = _make_seg(OUT, False, "edge")(
        y2.reshape(NC * N, OUT), src3e, dst3e, zers)
    out = _dense3(agg2, cnt, hr, b_l2.reshape(1, OUT),
                  g_out.reshape(1, OUT), be_out.reshape(1, OUT))
    return out

# --- scband reference (transcript-rebuilt; emitter-appended) ---
"""Pipeline reference for scband-fine-rgcn-38663295599087 (READ-ONLY COPY).

The authoritative reference and input builder live on the scoring server;
editing this copy changes nothing except your own understanding.
"""

import jax, jax.numpy as jnp
import numpy as np

N = 10000
E = 160000
F_IN = 256
HID = 256
OUT = 128


def layernorm(x, gamma, beta, eps=1e-5):
    mu = jnp.mean(x, axis=-1, keepdims=True)
    var = jnp.var(x, axis=-1, keepdims=True)
    return (x - mu) / jnp.sqrt(var + eps) * gamma + beta


def sage_conv(x, edge_index, W_l, b_l, W_r):
    # PyG SAGEConv with mean aggregation: out = lin_l(mean_{j in N(i)} x_j) + lin_r(x_i)
    src = edge_index[0]
    dst = edge_index[1]
    msgs = x[src]
    agg = jax.ops.segment_sum(msgs, dst, num_segments=x.shape[0])
    cnt = jax.ops.segment_sum(jnp.ones((edge_index.shape[1],), dtype=x.dtype), dst, num_segments=x.shape[0])
    mean = agg / jnp.clip(cnt, 1.0)[:, None]
    return mean @ W_l + b_l + x @ W_r


def setup_inputs(seed: int = 0) -> dict:
    key = jax.random.key(seed)
    ks = jax.random.split(key, 16)
    x = jax.random.normal(ks[0], (N, F_IN), dtype=jnp.float32)
    edge_index = jax.random.randint(ks[1], (2, E), 0, N, dtype=jnp.int64)
    s = lambda fan_in: 1.0 / np.sqrt(fan_in)
    return {
        "x": x,
        "edge_index": edge_index,
        "W_lin": jax.random.uniform(ks[2], (F_IN, HID), jnp.float32, -s(F_IN), s(F_IN)),
        "b_lin": jnp.zeros((HID,), jnp.float32),
        "W_l1": jax.random.uniform(ks[3], (F_IN, HID), jnp.float32, -s(F_IN), s(F_IN)),
        "b_l1": jnp.zeros((HID,), jnp.float32),
        "W_r1": jax.random.uniform(ks[4], (F_IN, HID), jnp.float32, -s(F_IN), s(F_IN)),
        "W_l2": jax.random.uniform(ks[5], (HID, OUT), jnp.float32, -s(HID), s(HID)),
        "b_l2": jnp.zeros((OUT,), jnp.float32),
        "W_r2": jax.random.uniform(ks[6], (HID, OUT), jnp.float32, -s(HID), s(HID)),
        "g1": jnp.ones((HID,), jnp.float32),
        "be1": jnp.zeros((HID,), jnp.float32),
        "g2": jnp.ones((HID,), jnp.float32),
        "be2": jnp.zeros((HID,), jnp.float32),
        "g_out": jnp.ones((OUT,), jnp.float32),
        "be_out": jnp.zeros((OUT,), jnp.float32),
    }


def reference(x, edge_index, W_lin, b_lin, W_l1, b_l1, W_r1, W_l2, b_l2, W_r2, g1, be1, g2, be2, g_out, be_out):
    # eval mode: dropout is identity
    res_x = x @ W_lin + b_lin
    # num_relations = 1, single SAGEConv; stack().sum(0) over 1 relation == identity
    conv_out = sage_conv(x, edge_index, W_l1, b_l1, W_r1)
    h = conv_out
    h = jax.nn.silu(h)
    h = layernorm(h, g1, be1)
    h = res_x + h
    h = jax.nn.silu(h)
    h = layernorm(h, g2, be2)
    # combined edge index over 1 relation == same edge_index
    h = sage_conv(h, edge_index, W_l2, b_l2, W_r2)
    h = layernorm(h, g_out, be_out)
    return h

if __name__ == "__main__":
    import jax
    _d = setup_inputs()
    print(jax.jit(kernel)(*tuple(_d.values())))

</pallas_src>

<mosaic_0001>
#map = affine_map<(d0, d1) -> (0, 0)>
#map1 = affine_map<(d0, d1) -> (0, 0, 0)>
module attributes {stable_mosaic.version = 14 : i64} {
  func.func @body(%arg0: i32, %arg1: i32, %arg2: memref<20000x128xf32, #tpu.memory_space<hbm>>, %arg3: memref<2x1280x128xi32, #tpu.memory_space<hbm>>, %arg4: memref<2x1280x128xi32, #tpu.memory_space<hbm>>, %arg5: memref<10016x128xf32, #tpu.memory_space<hbm>>, %arg6: memref<2x10000x128xf32, #tpu.memory_space<hbm>>, %arg7: memref<2x10112xf32, #tpu.memory_space<hbm>>, %arg8: memref<40x128xi32, #tpu.memory_space<vmem>>, %arg9: memref<40x128xi32, #tpu.memory_space<vmem>>, %arg10: memref<128x128xf32, #tpu.memory_space<vmem>>, %arg11: memref<128x128xf32, #tpu.memory_space<vmem>>, %arg12: memref<10016x128xf32, #tpu.memory_space<vmem_shared>>, %arg13: memref<!tpu.dma_semaphore, #tpu.memory_space<semaphore_mem>>, %arg14: memref<!tpu.dma_semaphore, #tpu.memory_space<semaphore_mem>>, %arg15: memref<!tpu.dma_semaphore, #tpu.memory_space<semaphore_mem>>, %arg16: memref<!tpu.dma_semaphore, #tpu.memory_space<semaphore_mem>>, %arg17: memref<!tpu.dma_semaphore, #tpu.memory_space<semaphore_mem>>, %arg18: memref<640xf32, #tpu.memory_space<vmem>>, %arg19: memref<10112xf32, #tpu.memory_space<vmem_shared>>) attributes {dimension_semantics = [#tpu.dimension_semantics<core_parallel>, #tpu.dimension_semantics<subcore_parallel>], iteration_bounds = array<i64: 2, 16>, scalar_prefetch = 0 : i64, scratch_operands = 12 : i64, tpu.core_type = #tpu.core_type<sc_vector_subcore>, window_params = [{transform_indices = #map}, {transform_indices = #map1}, {transform_indices = #map1}, {transform_indices = #map}, {transform_indices = #map1}, {transform_indices = #map}]} {
    %mul3A = arith.constant 80 : i32
    %mul3A_0 = arith.muli %arg1, %mul3A : i32
    %mul3A_1 = arith.constant 624 : i32
    %mul3A_2 = arith.muli %arg1, %mul3A_1 : i32
    %mul3A_3 = arith.constant 624 : i32
    %mul3A_4 = arith.muli %arg1, %mul3A_3 : i32
    "tpu.region"() ({
      %run_scoped3A = tpu.sem_alloc : memref<!tpu.dma_semaphore, #tpu.memory_space<semaphore_mem>>
      %dma_start3A_99 = arith.constant 0 : i32
      %dma_start3A_100 = tpu.memref_slice %arg12[%mul3A_4, %dma_start3A_99] : memref<10016x128xf32, #tpu.memory_space<vmem_shared>> -> memref<624x128xf32, #tpu.memory_space<vmem_shared>>
      %dma_start3A_101 = arith.constant 0 : i32
      %dma_start3A_102 = tpu.memref_slice %arg5[%mul3A_2, %dma_start3A_101] : memref<10016x128xf32, #tpu.memory_space<hbm>> -> memref<624x128xf32, #tpu.memory_space<hbm>>
      tpu.enqueue_dma source(%dma_start3A_102 : memref<624x128xf32, #tpu.memory_space<hbm>>) target(%dma_start3A_100 : memref<624x128xf32, #tpu.memory_space<vmem_shared>>) target_semaphore(%run_scoped3A : memref<!tpu.dma_semaphore, #tpu.memory_space<semaphore_mem>>)
      %dma_wait3A_103 = arith.constant 0 : i32
      %dma_wait3A_104 = tpu.memref_slice %arg12[%mul3A_4, %dma_wait3A_103] : memref<10016x128xf32, #tpu.memory_space<vmem_shared>> -> memref<624x128xf32, #tpu.memory_space<vmem_shared>>
      %dma_wait3A_105 = arith.constant 0 : i32
      %dma_wait3A_106 = tpu.memref_slice %arg5[%mul3A_2, %dma_wait3A_105] : memref<10016x128xf32, #tpu.memory_space<hbm>> -> memref<624x128xf32, #tpu.memory_space<hbm>>
      tpu.wait_dma2 semaphore(%run_scoped3A : memref<!tpu.dma_semaphore, #tpu.memory_space<semaphore_mem>>) src(%dma_wait3A_106 : memref<624x128xf32, #tpu.memory_space<hbm>>) dst(%dma_wait3A_104 : memref<624x128xf32, #tpu.memory_space<vmem_shared>>)
      tpu.yield
    }) : () -> ()
    %eq3A = arith.constant 15 : i32
    %eq3A_5 = arith.cmpi eq, %arg1, %eq3A : i32
    %convert_element_type3A = arith.extui %eq3A_5 : i1 to i32
    %cond3A = arith.constant 0 : i32
    %cond3A_6 = arith.cmpi ne, %convert_element_type3A, %cond3A : i32
    scf.if %cond3A_6 {
      "tpu.region"() ({
        %run_scoped3A = tpu.sem_alloc : memref<!tpu.dma_semaphore, #tpu.memory_space<semaphore_mem>>
        %dma_start3A_99 = arith.constant 9984 : i32
        %dma_start3A_100 = arith.constant 0 : i32
        %dma_start3A_101 = tpu.memref_slice %arg12[%dma_start3A_99, %dma_start3A_100] : memref<10016x128xf32, #tpu.memory_space<vmem_shared>> -> memref<16x128xf32, #tpu.memory_space<vmem_shared>>
        %dma_start3A_102 = arith.constant 9984 : i32
        %dma_start3A_103 = arith.constant 0 : i32
        %dma_start3A_104 = tpu.memref_slice %arg5[%dma_start3A_102, %dma_start3A_103] : memref<10016x128xf32, #tpu.memory_space<hbm>> -> memref<16x128xf32, #tpu.memory_space<hbm>>
        tpu.enqueue_dma source(%dma_start3A_104 : memref<16x128xf32, #tpu.memory_space<hbm>>) target(%dma_start3A_101 : memref<16x128xf32, #tpu.memory_space<vmem_shared>>) target_semaphore(%run_scoped3A : memref<!tpu.dma_semaphore, #tpu.memory_space<semaphore_mem>>)
        %dma_wait3A_105 = arith.constant 9984 : i32
        %dma_wait3A_106 = arith.constant 0 : i32
        %dma_wait3A_107 = tpu.memref_slice %arg12[%dma_wait3A_105, %dma_wait3A_106] : memref<10016x128xf32, #tpu.memory_space<vmem_shared>> -> memref<16x128xf32, #tpu.memory_space<vmem_shared>>
        %dma_wait3A_108 = arith.constant 9984 : i32
        %dma_wait3A_109 = arith.constant 0 : i32
        %dma_wait3A_110 = tpu.memref_slice %arg5[%dma_wait3A_108, %dma_wait3A_109] : memref<10016x128xf32, #tpu.memory_space<hbm>> -> memref<16x128xf32, #tpu.memory_space<hbm>>
        tpu.wait_dma2 semaphore(%run_scoped3A : memref<!tpu.dma_semaphore, #tpu.memory_space<semaphore_mem>>) src(%dma_wait3A_110 : memref<16x128xf32, #tpu.memory_space<hbm>>) dst(%dma_wait3A_107 : memref<16x128xf32, #tpu.memory_space<vmem_shared>>)
        tpu.yield
      }) : () -> ()
    } else {
    }
    %scan3A = arith.constant 0 : i32
    %scan3A_7 = arith.constant 0 : i32
    %scan3A_8 = arith.constant 40 : i32
    %scan3A_9 = arith.addi %scan3A_7, %scan3A_8 : i32
    %scan3A_10 = arith.constant 1 : i32
    %scan3A_11 = scf.for %scan3A_99 = %scan3A_7 to %scan3A_9 step %scan3A_10 iter_args(%scan3A_100 = %scan3A) -> (i32)  : i32 {
      %lt3A_101 = arith.constant 8 : i32
      %lt3A_102 = arith.cmpi slt, %scan3A_99, %lt3A_101 : i32
      %jit3A = arith.constant 1.000000e+00 : f32
      %jit3A_103 = arith.constant 0.000000e+00 : f32
      %select_n3A = arith.select %lt3A_102, %jit3A, %jit3A_103 : f32
      %broadcast_in_dim3A = arith.constant 1.000000e+00 : f32
      %broadcast_in_dim3A_104 = vector.broadcast %broadcast_in_dim3A : f32 to vector<16xf32>
      %mul3A_105 = vector.broadcast %select_n3A : f32 to vector<16xf32>
      %mul3A_106 = arith.mulf %mul3A_105, %broadcast_in_dim3A_104 : vector<16xf32>
      %mul3A_107 = arith.constant 16 : i32
      %mul3A_108 = arith.muli %scan3A_99, %mul3A_107 : i32
      %swap3A = arith.index_cast %mul3A_108 : i32 to index
      %swap3A_109 = tpu.vector_load %arg18[%swap3A] {strides = array<i32>} : memref<640xf32, #tpu.memory_space<vmem>>, vector<16xf32>,
      %swap3A_110 = vector.shape_cast %swap3A_109 : vector<16xf32> to vector<16xf32>
      %swap3A_111 = vector.shape_cast %mul3A_106 : vector<16xf32> to vector<16xf32>
      tpu.vector_store %arg18[%swap3A], %swap3A_111 {strides = array<i32>} : memref<640xf32, #tpu.memory_space<vmem>>, vector<16xf32>,
      %scan3A_112 = arith.constant 0 : i32
      scf.yield %scan3A_112 : i32
    }
    %scan3A_12 = arith.constant 40 : i32
    %lt3A = arith.constant 15 : i32
    %lt3A_13 = arith.cmpi slt, %arg1, %lt3A : i32
    %convert_element_type3A_14 = arith.extui %lt3A_13 : i1 to i32
    %cond3A_15 = arith.constant 0 : i32
    %cond3A_16 = arith.cmpi ne, %convert_element_type3A_14, %cond3A_15 : i32
    scf.if %cond3A_16 {
      %mul3A_99 = arith.constant 5 : i32
      %mul3A_100 = arith.muli %arg1, %mul3A_99 : i32
      %mul3A_101 = arith.constant 128 : i32
      %mul3A_102 = arith.muli %mul3A_100, %mul3A_101 : i32
      "tpu.region"() ({
        %run_scoped3A = tpu.sem_alloc : memref<!tpu.dma_semaphore, #tpu.memory_space<semaphore_mem>>
        %dma_start3A_109 = arith.constant 128 : i32
        %dma_start3A_110 = tpu.memref_slice %arg18[%dma_start3A_109] : memref<640xf32, #tpu.memory_space<vmem>> -> memref<512xf32, #tpu.memory_space<vmem>>
        %dma_start3A_111 = tpu.memref_slice %arg19[%mul3A_102] : memref<10112xf32, #tpu.memory_space<vmem_shared>> -> memref<512xf32, #tpu.memory_space<vmem_shared>>
        %dma_start3A_112 = tpu.memref_slice %arg19[%mul3A_102] : memref<10112xf32, #tpu.memory_space<vmem_shared>> -> memref<512xf32, #tpu.memory_space<vmem_shared>>
        %dma_start3A_113 = arith.constant 128 : i32
        %dma_start3A_114 = tpu.memref_slice %arg18[%dma_start3A_113] : memref<640xf32, #tpu.memory_space<vmem>> -> memref<512xf32, #tpu.memory_space<vmem>>
        tpu.enqueue_dma source(%dma_start3A_114 : memref<512xf32, #tpu.memory_space<vmem>>) target(%dma_start3A_112 : memref<512xf32, #tpu.memory_space<vmem_shared>>) target_semaphore(%run_scoped3A : memref<!tpu.dma_semaphore, #tpu.memory_space<semaphore_mem>>)
        %dma_wait3A_115 = arith.constant 128 : i32
        %dma_wait3A_116 = tpu.memref_slice %arg18[%dma_wait3A_115] : memref<640xf32, #tpu.memory_space<vmem>> -> memref<512xf32, #tpu.memory_space<vmem>>
        %dma_wait3A_117 = tpu.memref_slice %arg19[%mul3A_102] : memref<10112xf32, #tpu.memory_space<vmem_shared>> -> memref<512xf32, #tpu.memory_space<vmem_shared>>
        %dma_wait3A_118 = tpu.memref_slice %arg19[%mul3A_102] : memref<10112xf32, #tpu.memory_space<vmem_shared>> -> memref<512xf32, #tpu.memory_space<vmem_shared>>
        %dma_wait3A_119 = arith.constant 128 : i32
        %dma_wait3A_120 = tpu.memref_slice %arg18[%dma_wait3A_119] : memref<640xf32, #tpu.memory_space<vmem>> -> memref<512xf32, #tpu.memory_space<vmem>>
        tpu.wait_dma2 semaphore(%run_scoped3A : memref<!tpu.dma_semaphore, #tpu.memory_space<semaphore_mem>>) src(%dma_wait3A_120 : memref<512xf32, #tpu.memory_space<vmem>>) dst(%dma_wait3A_118 : memref<512xf32, #tpu.memory_space<vmem_shared>>)
        tpu.yield
      }) : () -> ()
      %mul3A_103 = arith.constant 5 : i32
      %mul3A_104 = arith.muli %arg1, %mul3A_103 : i32
      %mul3A_105 = arith.constant 128 : i32
      %mul3A_106 = arith.muli %mul3A_104, %mul3A_105 : i32
      %add3A_107 = arith.constant 512 : i32
      %add3A_108 = arith.addi %mul3A_106, %add3A_107 : i32
      "tpu.region"() ({
        %run_scoped3A = tpu.sem_alloc : memref<!tpu.dma_semaphore, #tpu.memory_space<semaphore_mem>>
        %dma_start3A_109 = arith.constant 128 : i32
        %dma_start3A_110 = tpu.memref_slice %arg18[%dma_start3A_109] : memref<640xf32, #tpu.memory_space<vmem>> -> memref<128xf32, #tpu.memory_space<vmem>>
        %dma_start3A_111 = tpu.memref_slice %arg19[%add3A_108] : memref<10112xf32, #tpu.memory_space<vmem_shared>> -> memref<128xf32, #tpu.memory_space<vmem_shared>>
        %dma_start3A_112 = tpu.memref_slice %arg19[%add3A_108] : memref<10112xf32, #tpu.memory_space<vmem_shared>> -> memref<128xf32, #tpu.memory_space<vmem_shared>>
        %dma_start3A_113 = arith.constant 128 : i32
        %dma_start3A_114 = tpu.memref_slice %arg18[%dma_start3A_113] : memref<640xf32, #tpu.memory_space<vmem>> -> memref<128xf32, #tpu.memory_space<vmem>>
        tpu.enqueue_dma source(%dma_start3A_114 : memref<128xf32, #tpu.memory_space<vmem>>) target(%dma_start3A_112 : memref<128xf32, #tpu.memory_space<vmem_shared>>) target_semaphore(%run_scoped3A : memref<!tpu.dma_semaphore, #tpu.memory_space<semaphore_mem>>)
        %dma_wait3A_115 = arith.constant 128 : i32
        %dma_wait3A_116 = tpu.memref_slice %arg18[%dma_wait3A_115] : memref<640xf32, #tpu.memory_space<vmem>> -> memref<128xf32, #tpu.memory_space<vmem>>
        %dma_wait3A_117 = tpu.memref_slice %arg19[%add3A_108] : memref<10112xf32, #tpu.memory_space<vmem_shared>> -> memref<128xf32, #tpu.memory_space<vmem_shared>>
        %dma_wait3A_118 = tpu.memref_slice %arg19[%add3A_108] : memref<10112xf32, #tpu.memory_space<vmem_shared>> -> memref<128xf32, #tpu.memory_space<vmem_shared>>
        %dma_wait3A_119 = arith.constant 128 : i32
        %dma_wait3A_120 = tpu.memref_slice %arg18[%dma_wait3A_119] : memref<640xf32, #tpu.memory_space<vmem>> -> memref<128xf32, #tpu.memory_space<vmem>>
        tpu.wait_dma2 semaphore(%run_scoped3A : memref<!tpu.dma_semaphore, #tpu.memory_space<semaphore_mem>>) src(%dma_wait3A_120 : memref<128xf32, #tpu.memory_space<vmem>>) dst(%dma_wait3A_118 : memref<128xf32, #tpu.memory_space<vmem_shared>>)
        tpu.yield
      }) : () -> ()
    } else {
    }
    %eq3A_17 = arith.constant 15 : i32
    %eq3A_18 = arith.cmpi eq, %arg1, %eq3A_17 : i32
    %convert_element_type3A_19 = arith.extui %eq3A_18 : i1 to i32
    %cond3A_20 = arith.constant 0 : i32
    %cond3A_21 = arith.cmpi ne, %convert_element_type3A_19, %cond3A_20 : i32
    scf.if %cond3A_21 {
      "tpu.region"() ({
        %run_scoped3A = tpu.sem_alloc : memref<!tpu.dma_semaphore, #tpu.memory_space<semaphore_mem>>
        %dma_start3A_99 = arith.constant 128 : i32
        %dma_start3A_100 = tpu.memref_slice %arg18[%dma_start3A_99] : memref<640xf32, #tpu.memory_space<vmem>> -> memref<512xf32, #tpu.memory_space<vmem>>
        %dma_start3A_101 = arith.constant 9600 : i32
        %dma_start3A_102 = tpu.memref_slice %arg19[%dma_start3A_101] : memref<10112xf32, #tpu.memory_space<vmem_shared>> -> memref<512xf32, #tpu.memory_space<vmem_shared>>
        %dma_start3A_103 = arith.constant 9600 : i32
        %dma_start3A_104 = tpu.memref_slice %arg19[%dma_start3A_103] : memref<10112xf32, #tpu.memory_space<vmem_shared>> -> memref<512xf32, #tpu.memory_space<vmem_shared>>
        %dma_start3A_105 = arith.constant 128 : i32
        %dma_start3A_106 = tpu.memref_slice %arg18[%dma_start3A_105] : memref<640xf32, #tpu.memory_space<vmem>> -> memref<512xf32, #tpu.memory_space<vmem>>
        tpu.enqueue_dma source(%dma_start3A_106 : memref<512xf32, #tpu.memory_space<vmem>>) target(%dma_start3A_104 : memref<512xf32, #tpu.memory_space<vmem_shared>>) target_semaphore(%run_scoped3A : memref<!tpu.dma_semaphore, #tpu.memory_space<semaphore_mem>>)
        %dma_wait3A_107 = arith.constant 128 : i32
        %dma_wait3A_108 = tpu.memref_slice %arg18[%dma_wait3A_107] : memref<640xf32, #tpu.memory_space<vmem>> -> memref<512xf32, #tpu.memory_space<vmem>>
        %dma_wait3A_109 = arith.constant 9600 : i32
        %dma_wait3A_110 = tpu.memref_slice %arg19[%dma_wait3A_109] : memref<10112xf32, #tpu.memory_space<vmem_shared>> -> memref<512xf32, #tpu.memory_space<vmem_shared>>
        %dma_wait3A_111 = arith.constant 9600 : i32
        %dma_wait3A_112 = tpu.memref_slice %arg19[%dma_wait3A_111] : memref<10112xf32, #tpu.memory_space<vmem_shared>> -> memref<512xf32, #tpu.memory_space<vmem_shared>>
        %dma_wait3A_113 = arith.constant 128 : i32
        %dma_wait3A_114 = tpu.memref_slice %arg18[%dma_wait3A_113] : memref<640xf32, #tpu.memory_space<vmem>> -> memref<512xf32, #tpu.memory_space<vmem>>
        tpu.wait_dma2 semaphore(%run_scoped3A : memref<!tpu.dma_semaphore, #tpu.memory_space<semaphore_mem>>) src(%dma_wait3A_114 : memref<512xf32, #tpu.memory_space<vmem>>) dst(%dma_wait3A_112 : memref<512xf32, #tpu.memory_space<vmem_shared>>)
        tpu.yield
      }) : () -> ()
    } else {
    }
    %barrier3A = arith.constant 0 : index
    tpu.barrier barrier_id(%barrier3A)
    %add3A = arith.constant 0 : i32
    %add3A_22 = arith.addi %mul3A_0, %add3A : i32
    "tpu.region"() ({
      %run_scoped3A = tpu.sem_alloc : memref<!tpu.dma_semaphore, #tpu.memory_space<semaphore_mem>>
      %dma_start3A_99 = arith.constant 0 : i32
      %dma_start3A_100 = tpu.memref_slice %arg3[%arg0, %add3A_22, %dma_start3A_99] : memref<2x1280x128xi32, #tpu.memory_space<hbm>> -> memref<1x40x128xi32, #tpu.memory_space<hbm>>
      %dma_start3A_101 = tpu.memref_squeeze %dma_start3A_100 : memref<1x40x128xi32, #tpu.memory_space<hbm>> -> memref<40x128xi32, #tpu.memory_space<hbm>>
      %dma_start3A_102 = arith.constant 0 : i32
      %dma_start3A_103 = tpu.memref_slice %arg3[%arg0, %add3A_22, %dma_start3A_102] : memref<2x1280x128xi32, #tpu.memory_space<hbm>> -> memref<1x40x128xi32, #tpu.memory_space<hbm>>
      %dma_start3A_104 = tpu.memref_squeeze %dma_start3A_103 : memref<1x40x128xi32, #tpu.memory_space<hbm>> -> memref<40x128xi32, #tpu.memory_space<hbm>>
      tpu.enqueue_dma source(%dma_start3A_104 : memref<40x128xi32, #tpu.memory_space<hbm>>) target(%arg8 : memref<40x128xi32, #tpu.memory_space<vmem>>) target_semaphore(%run_scoped3A : memref<!tpu.dma_semaphore, #tpu.memory_space<semaphore_mem>>)
      %dma_wait3A_105 = arith.constant 0 : i32
      %dma_wait3A_106 = tpu.memref_slice %arg3[%arg0, %add3A_22, %dma_wait3A_105] : memref<2x1280x128xi32, #tpu.memory_space<hbm>> -> memref<1x40x128xi32, #tpu.memory_space<hbm>>
      %dma_wait3A_107 = tpu.memref_squeeze %dma_wait3A_106 : memref<1x40x128xi32, #tpu.memory_space<hbm>> -> memref<40x128xi32, #tpu.memory_space<hbm>>
      %dma_wait3A_108 = arith.constant 0 : i32
      %dma_wait3A_109 = tpu.memref_slice %arg3[%arg0, %add3A_22, %dma_wait3A_108] : memref<2x1280x128xi32, #tpu.memory_space<hbm>> -> memref<1x40x128xi32, #tpu.memory_space<hbm>>
      %dma_wait3A_110 = tpu.memref_squeeze %dma_wait3A_109 : memref<1x40x128xi32, #tpu.memory_space<hbm>> -> memref<40x128xi32, #tpu.memory_space<hbm>>
      tpu.wait_dma2 semaphore(%run_scoped3A : memref<!tpu.dma_semaphore, #tpu.memory_space<semaphore_mem>>) src(%dma_wait3A_110 : memref<40x128xi32, #tpu.memory_space<hbm>>) dst(%arg8 : memref<40x128xi32, #tpu.memory_space<vmem>>)
      tpu.yield
    }) : () -> ()
    %add3A_23 = arith.constant 0 : i32
    %add3A_24 = arith.addi %mul3A_0, %add3A_23 : i32
    "tpu.region"() ({
      %run_scoped3A = tpu.sem_alloc : memref<!tpu.dma_semaphore, #tpu.memory_space<semaphore_mem>>
      %dma_start3A_99 = arith.constant 0 : i32
      %dma_start3A_100 = tpu.memref_slice %arg4[%arg0, %add3A_24, %dma_start3A_99] : memref<2x1280x128xi32, #tpu.memory_space<hbm>> -> memref<1x40x128xi32, #tpu.memory_space<hbm>>
      %dma_start3A_101 = tpu.memref_squeeze %dma_start3A_100 : memref<1x40x128xi32, #tpu.memory_space<hbm>> -> memref<40x128xi32, #tpu.memory_space<hbm>>
      %dma_start3A_102 = arith.constant 0 : i32
      %dma_start3A_103 = tpu.memref_slice %arg4[%arg0, %add3A_24, %dma_start3A_102] : memref<2x1280x128xi32, #tpu.memory_space<hbm>> -> memref<1x40x128xi32, #tpu.memory_space<hbm>>
      %dma_start3A_104 = tpu.memref_squeeze %dma_start3A_103 : memref<1x40x128xi32, #tpu.memory_space<hbm>> -> memref<40x128xi32, #tpu.memory_space<hbm>>
      tpu.enqueue_dma source(%dma_start3A_104 : memref<40x128xi32, #tpu.memory_space<hbm>>) target(%arg9 : memref<40x128xi32, #tpu.memory_space<vmem>>) target_semaphore(%run_scoped3A : memref<!tpu.dma_semaphore, #tpu.memory_space<semaphore_mem>>)
      %dma_wait3A_105 = arith.constant 0 : i32
      %dma_wait3A_106 = tpu.memref_slice %arg4[%arg0, %add3A_24, %dma_wait3A_105] : memref<2x1280x128xi32, #tpu.memory_space<hbm>> -> memref<1x40x128xi32, #tpu.memory_space<hbm>>
      %dma_wait3A_107 = tpu.memref_squeeze %dma_wait3A_106 : memref<1x40x128xi32, #tpu.memory_space<hbm>> -> memref<40x128xi32, #tpu.memory_space<hbm>>
      %dma_wait3A_108 = arith.constant 0 : i32
      %dma_wait3A_109 = tpu.memref_slice %arg4[%arg0, %add3A_24, %dma_wait3A_108] : memref<2x1280x128xi32, #tpu.memory_space<hbm>> -> memref<1x40x128xi32, #tpu.memory_space<hbm>>
      %dma_wait3A_110 = tpu.memref_squeeze %dma_wait3A_109 : memref<1x40x128xi32, #tpu.memory_space<hbm>> -> memref<40x128xi32, #tpu.memory_space<hbm>>
      tpu.wait_dma2 semaphore(%run_scoped3A : memref<!tpu.dma_semaphore, #tpu.memory_space<semaphore_mem>>) src(%dma_wait3A_110 : memref<40x128xi32, #tpu.memory_space<hbm>>) dst(%arg9 : memref<40x128xi32, #tpu.memory_space<vmem>>)
      tpu.yield
    }) : () -> ()
    %dma_start3A = arith.constant 0 : i32
    %dma_start3A_25 = arith.constant 0 : i32
    %dma_start3A_26 = tpu.memref_slice %arg8[%dma_start3A, %dma_start3A_25] : memref<40x128xi32, #tpu.memory_space<vmem>> -> memref<1x128xi32, #tpu.memory_space<vmem>>
    %dma_start3A_27 = tpu.memref_squeeze %dma_start3A_26 : memref<1x128xi32, #tpu.memory_space<vmem>> -> memref<128xi32, #tpu.memory_space<vmem>>
    %dma_start3A_28 = arith.constant 0 : i32
    %dma_start3A_29 = arith.constant 0 : i32
    %dma_start3A_30 = tpu.memref_slice %arg2[%dma_start3A_28, %dma_start3A_29] : memref<20000x128xf32, #tpu.memory_space<hbm>> -> memref<20000x128xf32, #tpu.memory_space<hbm>>
    tpu.enqueue_indirect_dma source(%dma_start3A_30 : memref<20000x128xf32, #tpu.memory_space<hbm>>) target(%arg10 : memref<128x128xf32, #tpu.memory_space<vmem>>) offsets(%dma_start3A_27 : memref<128xi32, #tpu.memory_space<vmem>>) semaphore(%arg13 : memref<!tpu.dma_semaphore, #tpu.memory_space<semaphore_mem>>)
    %scan3A_31 = arith.constant 0 : i32
    %scan3A_32 = arith.constant 0 : i32
    %scan3A_33 = arith.constant 40 : i32
    %scan3A_34 = arith.addi %scan3A_32, %scan3A_33 : i32
    %scan3A_35 = arith.constant 1 : i32
    %scan3A_36 = scf.for %scan3A_99 = %scan3A_32 to %scan3A_34 step %scan3A_35 iter_args(%scan3A_100 = %scan3A_31) -> (i32)  : i32 {
      %rem3A = arith.constant 2 : i32
      %rem3A_101 = arith.remsi %scan3A_99, %rem3A : i32
      %eq3A_102 = arith.constant 0 : i32
      %eq3A_103 = arith.cmpi eq, %rem3A_101, %eq3A_102 : i32
      %convert_element_type3A_104 = arith.extui %eq3A_103 : i1 to i32
      %cond3A_105 = arith.constant 0 : i32
      %cond3A_106 = arith.cmpi ne, %convert_element_type3A_104, %cond3A_105 : i32
      scf.if %cond3A_106 {
        %ge3A = arith.constant 1 : i32
        %ge3A_120 = arith.cmpi sge, %scan3A_99, %ge3A : i32
        %convert_element_type3A_121 = arith.extui %ge3A_120 : i1 to i32
        %cond3A_122 = arith.constant 0 : i32
        %cond3A_123 = arith.cmpi ne, %convert_element_type3A_121, %cond3A_122 : i32
        scf.if %cond3A_123 {
          %dma_wait3A_141 = arith.constant 0 : i32
          %dma_wait3A_142 = arith.constant 0 : i32
          %dma_wait3A_143 = tpu.memref_slice %arg9[%dma_wait3A_141, %dma_wait3A_142] : memref<40x128xi32, #tpu.memory_space<vmem>> -> memref<1x128xi32, #tpu.memory_space<vmem>>
          %dma_wait3A_144 = tpu.memref_squeeze %dma_wait3A_143 : memref<1x128xi32, #tpu.memory_space<vmem>> -> memref<128xi32, #tpu.memory_space<vmem>>
          %dma_wait3A_145 = arith.constant 0 : i32
          %dma_wait3A_146 = arith.constant 0 : i32
          %dma_wait3A_147 = tpu.memref_slice %arg12[%dma_wait3A_145, %dma_wait3A_146] : memref<10016x128xf32, #tpu.memory_space<vmem_shared>> -> memref<10016x128xf32, #tpu.memory_space<vmem_shared>>
          tpu.wait_indirect_dma semaphore(%arg16 : memref<!tpu.dma_semaphore, #tpu.memory_space<semaphore_mem>>) src(%arg11 : memref<128x128xf32, #tpu.memory_space<vmem>>) dst(%dma_wait3A_147 : memref<10016x128xf32, #tpu.memory_space<vmem_shared>>)
        } else {
        }
        %lt3A_124 = arith.constant 39 : i32
        %lt3A_125 = arith.cmpi slt, %scan3A_99, %lt3A_124 : i32
        %convert_element_type3A_126 = arith.extui %lt3A_125 : i1 to i32
        %cond3A_127 = arith.constant 0 : i32
        %cond3A_128 = arith.cmpi ne, %convert_element_type3A_126, %cond3A_127 : i32
        scf.if %cond3A_128 {
          %add3A_141 = arith.constant 1 : i32
          %add3A_142 = arith.addi %scan3A_99, %add3A_141 : i32
          %dma_start3A_143 = arith.constant 0 : i32
          %dma_start3A_144 = tpu.memref_slice %arg8[%add3A_142, %dma_start3A_143] : memref<40x128xi32, #tpu.memory_space<vmem>> -> memref<1x128xi32, #tpu.memory_space<vmem>>
          %dma_start3A_145 = tpu.memref_squeeze %dma_start3A_144 : memref<1x128xi32, #tpu.memory_space<vmem>> -> memref<128xi32, #tpu.memory_space<vmem>>
          %dma_start3A_146 = arith.constant 0 : i32
          %dma_start3A_147 = arith.constant 0 : i32
          %dma_start3A_148 = tpu.memref_slice %arg2[%dma_start3A_146, %dma_start3A_147] : memref<20000x128xf32, #tpu.memory_space<hbm>> -> memref<20000x128xf32, #tpu.memory_space<hbm>>
          tpu.enqueue_indirect_dma source(%dma_start3A_148 : memref<20000x128xf32, #tpu.memory_space<hbm>>) target(%arg11 : memref<128x128xf32, #tpu.memory_space<vmem>>) offsets(%dma_start3A_145 : memref<128xi32, #tpu.memory_space<vmem>>) semaphore(%arg14 : memref<!tpu.dma_semaphore, #tpu.memory_space<semaphore_mem>>)
        } else {
        }
        %dma_wait3A_129 = arith.constant 0 : i32
        %dma_wait3A_130 = tpu.memref_slice %arg8[%scan3A_99, %dma_wait3A_129] : memref<40x128xi32, #tpu.memory_space<vmem>> -> memref<1x128xi32, #tpu.memory_space<vmem>>
        %dma_wait3A_131 = tpu.memref_squeeze %dma_wait3A_130 : memref<1x128xi32, #tpu.memory_space<vmem>> -> memref<128xi32, #tpu.memory_space<vmem>>
        %dma_wait3A_132 = arith.constant 0 : i32
        %dma_wait3A_133 = arith.constant 0 : i32
        %dma_wait3A_134 = tpu.memref_slice %arg2[%dma_wait3A_132, %dma_wait3A_133] : memref<20000x128xf32, #tpu.memory_space<hbm>> -> memref<20000x128xf32, #tpu.memory_space<hbm>>
        tpu.wait_indirect_dma semaphore(%arg13 : memref<!tpu.dma_semaphore, #tpu.memory_space<semaphore_mem>>) src(%dma_wait3A_134 : memref<20000x128xf32, #tpu.memory_space<hbm>>) dst(%arg10 : memref<128x128xf32, #tpu.memory_space<vmem>>)
        %dma_start3A_135 = arith.constant 0 : i32
        %dma_start3A_136 = tpu.memref_slice %arg9[%scan3A_99, %dma_start3A_135] : memref<40x128xi32, #tpu.memory_space<vmem>> -> memref<1x128xi32, #tpu.memory_space<vmem>>
        %dma_start3A_137 = tpu.memref_squeeze %dma_start3A_136 : memref<1x128xi32, #tpu.memory_space<vmem>> -> memref<128xi32, #tpu.memory_space<vmem>>
        %dma_start3A_138 = arith.constant 0 : i32
        %dma_start3A_139 = arith.constant 0 : i32
        %dma_start3A_140 = tpu.memref_slice %arg12[%dma_start3A_138, %dma_start3A_139] : memref<10016x128xf32, #tpu.memory_space<vmem_shared>> -> memref<10016x128xf32, #tpu.memory_space<vmem_shared>>
        tpu.enqueue_indirect_dma source(%arg10 : memref<128x128xf32, #tpu.memory_space<vmem>>) target(%dma_start3A_140 : memref<10016x128xf32, #tpu.memory_space<vmem_shared>>) offsets(%dma_start3A_137 : memref<128xi32, #tpu.memory_space<vmem>>) semaphore(%arg15 : memref<!tpu.dma_semaphore, #tpu.memory_space<semaphore_mem>>) {add = true}
      } else {
      }
      %rem3A_107 = arith.constant 2 : i32
      %rem3A_108 = arith.remsi %scan3A_99, %rem3A_107 : i32
      %eq3A_109 = arith.constant 1 : i32
      %eq3A_110 = arith.cmpi eq, %rem3A_108, %eq3A_109 : i32
      %convert_element_type3A_111 = arith.extui %eq3A_110 : i1 to i32
      %cond3A_112 = arith.constant 0 : i32
      %cond3A_113 = arith.cmpi ne, %convert_element_type3A_111, %cond3A_112 : i32
      scf.if %cond3A_113 {
        %ge3A = arith.constant 1 : i32
        %ge3A_120 = arith.cmpi sge, %scan3A_99, %ge3A : i32
        %convert_element_type3A_121 = arith.extui %ge3A_120 : i1 to i32
        %cond3A_122 = arith.constant 0 : i32
        %cond3A_123 = arith.cmpi ne, %convert_element_type3A_121, %cond3A_122 : i32
        scf.if %cond3A_123 {
          %dma_wait3A_141 = arith.constant 0 : i32
          %dma_wait3A_142 = arith.constant 0 : i32
          %dma_wait3A_143 = tpu.memref_slice %arg9[%dma_wait3A_141, %dma_wait3A_142] : memref<40x128xi32, #tpu.memory_space<vmem>> -> memref<1x128xi32, #tpu.memory_space<vmem>>
          %dma_wait3A_144 = tpu.memref_squeeze %dma_wait3A_143 : memref<1x128xi32, #tpu.memory_space<vmem>> -> memref<128xi32, #tpu.memory_space<vmem>>
          %dma_wait3A_145 = arith.constant 0 : i32
          %dma_wait3A_146 = arith.constant 0 : i32
          %dma_wait3A_147 = tpu.memref_slice %arg12[%dma_wait3A_145, %dma_wait3A_146] : memref<10016x128xf32, #tpu.memory_space<vmem_shared>> -> memref<10016x128xf32, #tpu.memory_space<vmem_shared>>
          tpu.wait_indirect_dma semaphore(%arg15 : memref<!tpu.dma_semaphore, #tpu.memory_space<semaphore_mem>>) src(%arg10 : memref<128x128xf32, #tpu.memory_space<vmem>>) dst(%dma_wait3A_147 : memref<10016x128xf32, #tpu.memory_space<vmem_shared>>)
        } else {
        }
        %lt3A_124 = arith.constant 39 : i32
        %lt3A_125 = arith.cmpi slt, %scan3A_99, %lt3A_124 : i32
        %convert_element_type3A_126 = arith.extui %lt3A_125 : i1 to i32
        %cond3A_127 = arith.constant 0 : i32
        %cond3A_128 = arith.cmpi ne, %convert_element_type3A_126, %cond3A_127 : i32
        scf.if %cond3A_128 {
          %add3A_141 = arith.constant 1 : i32
          %add3A_142 = arith.addi %scan3A_99, %add3A_141 : i32
          %dma_start3A_143 = arith.constant 0 : i32
          %dma_start3A_144 = tpu.memref_slice %arg8[%add3A_142, %dma_start3A_143] : memref<40x128xi32, #tpu.memory_space<vmem>> -> memref<1x128xi32, #tpu.memory_space<vmem>>
          %dma_start3A_145 = tpu.memref_squeeze %dma_start3A_144 : memref<1x128xi32, #tpu.memory_space<vmem>> -> memref<128xi32, #tpu.memory_space<vmem>>
          %dma_start3A_146 = arith.constant 0 : i32
          %dma_start3A_147 = arith.constant 0 : i32
          %dma_start3A_148 = tpu.memref_slice %arg2[%dma_start3A_146, %dma_start3A_147] : memref<20000x128xf32, #tpu.memory_space<hbm>> -> memref<20000x128xf32, #tpu.memory_space<hbm>>
          tpu.enqueue_indirect_dma source(%dma_start3A_148 : memref<20000x128xf32, #tpu.memory_space<hbm>>) target(%arg10 : memref<128x128xf32, #tpu.memory_space<vmem>>) offsets(%dma_start3A_145 : memref<128xi32, #tpu.memory_space<vmem>>) semaphore(%arg13 : memref<!tpu.dma_semaphore, #tpu.memory_space<semaphore_mem>>)
        } else {
        }
        %dma_wait3A_129 = arith.constant 0 : i32
        %dma_wait3A_130 = tpu.memref_slice %arg8[%scan3A_99, %dma_wait3A_129] : memref<40x128xi32, #tpu.memory_space<vmem>> -> memref<1x128xi32, #tpu.memory_space<vmem>>
        %dma_wait3A_131 = tpu.memref_squeeze %dma_wait3A_130 : memref<1x128xi32, #tpu.memory_space<vmem>> -> memref<128xi32, #tpu.memory_space<vmem>>
        %dma_wait3A_132 = arith.constant 0 : i32
        %dma_wait3A_133 = arith.constant 0 : i32
        %dma_wait3A_134 = tpu.memref_slice %arg2[%dma_wait3A_132, %dma_wait3A_133] : memref<20000x128xf32, #tpu.memory_space<hbm>> -> memref<20000x128xf32, #tpu.memory_space<hbm>>
        tpu.wait_indirect_dma semaphore(%arg14 : memref<!tpu.dma_semaphore, #tpu.memory_space<semaphore_mem>>) src(%dma_wait3A_134 : memref<20000x128xf32, #tpu.memory_space<hbm>>) dst(%arg11 : memref<128x128xf32, #tpu.memory_space<vmem>>)
        %dma_start3A_135 = arith.constant 0 : i32
        %dma_start3A_136 = tpu.memref_slice %arg9[%scan3A_99, %dma_start3A_135] : memref<40x128xi32, #tpu.memory_space<vmem>> -> memref<1x128xi32, #tpu.memory_space<vmem>>
        %dma_start3A_137 = tpu.memref_squeeze %dma_start3A_136 : memref<1x128xi32, #tpu.memory_space<vmem>> -> memref<128xi32, #tpu.memory_space<vmem>>
        %dma_start3A_138 = arith.constant 0 : i32
        %dma_start3A_139 = arith.constant 0 : i32
        %dma_start3A_140 = tpu.memref_slice %arg12[%dma_start3A_138, %dma_start3A_139] : memref<10016x128xf32, #tpu.memory_space<vmem_shared>> -> memref<10016x128xf32, #tpu.memory_space<vmem_shared>>
        tpu.enqueue_indirect_dma source(%arg11 : memref<128x128xf32, #tpu.memory_space<vmem>>) target(%dma_start3A_140 : memref<10016x128xf32, #tpu.memory_space<vmem_shared>>) offsets(%dma_start3A_137 : memref<128xi32, #tpu.memory_space<vmem>>) semaphore(%arg16 : memref<!tpu.dma_semaphore, #tpu.memory_space<semaphore_mem>>) {add = true}
      } else {
      }
      %eq3A_114 = arith.constant 0 : i32
      %eq3A_115 = arith.cmpi eq, %arg0, %eq3A_114 : i32
      %convert_element_type3A_116 = arith.extui %eq3A_115 : i1 to i32
      %cond3A_117 = arith.constant 0 : i32
      %cond3A_118 = arith.cmpi ne, %convert_element_type3A_116, %cond3A_117 : i32
      scf.if %cond3A_118 {
        %ge3A = arith.constant 1 : i32
        %ge3A_120 = arith.cmpi sge, %scan3A_99, %ge3A : i32
        %convert_element_type3A_121 = arith.extui %ge3A_120 : i1 to i32
        %cond3A_122 = arith.constant 0 : i32
        %cond3A_123 = arith.cmpi ne, %convert_element_type3A_121, %cond3A_122 : i32
        scf.if %cond3A_123 {
          %dma_wait3A_131 = arith.constant 0 : i32
          %dma_wait3A_132 = arith.constant 0 : i32
          %dma_wait3A_133 = tpu.memref_slice %arg18[%dma_wait3A_132] : memref<640xf32, #tpu.memory_space<vmem>> -> memref<128xf32, #tpu.memory_space<vmem>>
          %dma_wait3A_134 = arith.constant 0 : i32
          %dma_wait3A_135 = tpu.memref_slice %arg9[%dma_wait3A_131, %dma_wait3A_134] : memref<40x128xi32, #tpu.memory_space<vmem>> -> memref<1x128xi32, #tpu.memory_space<vmem>>
          %dma_wait3A_136 = tpu.memref_squeeze %dma_wait3A_135 : memref<1x128xi32, #tpu.memory_space<vmem>> -> memref<128xi32, #tpu.memory_space<vmem>>
          %dma_wait3A_137 = arith.constant 0 : i32
          %dma_wait3A_138 = tpu.memref_slice %arg19[%dma_wait3A_137] : memref<10112xf32, #tpu.memory_space<vmem_shared>> -> memref<10112xf32, #tpu.memory_space<vmem_shared>>
          tpu.wait_indirect_dma semaphore(%arg17 : memref<!tpu.dma_semaphore, #tpu.memory_space<semaphore_mem>>) src(%dma_wait3A_133 : memref<128xf32, #tpu.memory_space<vmem>>) dst(%dma_wait3A_138 : memref<10112xf32, #tpu.memory_space<vmem_shared>>)
        } else {
        }
        %dma_start3A_124 = arith.constant 0 : i32
        %dma_start3A_125 = tpu.memref_slice %arg18[%dma_start3A_124] : memref<640xf32, #tpu.memory_space<vmem>> -> memref<128xf32, #tpu.memory_space<vmem>>
        %dma_start3A_126 = arith.constant 0 : i32
        %dma_start3A_127 = tpu.memref_slice %arg9[%scan3A_99, %dma_start3A_126] : memref<40x128xi32, #tpu.memory_space<vmem>> -> memref<1x128xi32, #tpu.memory_space<vmem>>
        %dma_start3A_128 = tpu.memref_squeeze %dma_start3A_127 : memref<1x128xi32, #tpu.memory_space<vmem>> -> memref<128xi32, #tpu.memory_space<vmem>>
        %dma_start3A_129 = arith.constant 0 : i32
        %dma_start3A_130 = tpu.memref_slice %arg19[%dma_start3A_129] : memref<10112xf32, #tpu.memory_space<vmem_shared>> -> memref<10112xf32, #tpu.memory_space<vmem_shared>>
        tpu.enqueue_indirect_dma source(%dma_start3A_125 : memref<128xf32, #tpu.memory_space<vmem>>) target(%dma_start3A_130 : memref<10112xf32, #tpu.memory_space<vmem_shared>>) offsets(%dma_start3A_128 : memref<128xi32, #tpu.memory_space<vmem>>) semaphore(%arg17 : memref<!tpu.dma_semaphore, #tpu.memory_space<semaphore_mem>>) {add = true}
      } else {
      }
      %scan3A_119 = arith.constant 0 : i32
      scf.yield %scan3A_119 : i32
    }
    %scan3A_37 = arith.constant 40 : i32
    %dma_wait3A = arith.constant 0 : i32
    %dma_wait3A_38 = arith.constant 0 : i32
    %dma_wait3A_39 = tpu.memref_slice %arg9[%dma_wait3A, %dma_wait3A_38] : memref<40x128xi32, #tpu.memory_space<vmem>> -> memref<1x128xi32, #tpu.memory_space<vmem>>
    %dma_wait3A_40 = tpu.memref_squeeze %dma_wait3A_39 : memref<1x128xi32, #tpu.memory_space<vmem>> -> memref<128xi32, #tpu.memory_space<vmem>>
    %dma_wait3A_41 = arith.constant 0 : i32
    %dma_wait3A_42 = arith.constant 0 : i32
    %dma_wait3A_43 = tpu.memref_slice %arg12[%dma_wait3A_41, %dma_wait3A_42] : memref<10016x128xf32, #tpu.memory_space<vmem_shared>> -> memref<10016x128xf32, #tpu.memory_space<vmem_shared>>
    tpu.wait_indirect_dma semaphore(%arg16 : memref<!tpu.dma_semaphore, #tpu.memory_space<semaphore_mem>>) src(%arg11 : memref<128x128xf32, #tpu.memory_space<vmem>>) dst(%dma_wait3A_43 : memref<10016x128xf32, #tpu.memory_space<vmem_shared>>)
    %eq3A_44 = arith.constant 0 : i32
    %eq3A_45 = arith.cmpi eq, %arg0, %eq3A_44 : i32
    %convert_element_type3A_46 = arith.extui %eq3A_45 : i1 to i32
    %cond3A_47 = arith.constant 0 : i32
    %cond3A_48 = arith.cmpi ne, %convert_element_type3A_46, %cond3A_47 : i32
    scf.if %cond3A_48 {
      %dma_wait3A_99 = arith.constant 0 : i32
      %dma_wait3A_100 = arith.constant 0 : i32
      %dma_wait3A_101 = tpu.memref_slice %arg18[%dma_wait3A_100] : memref<640xf32, #tpu.memory_space<vmem>> -> memref<128xf32, #tpu.memory_space<vmem>>
      %dma_wait3A_102 = arith.constant 0 : i32
      %dma_wait3A_103 = tpu.memref_slice %arg9[%dma_wait3A_99, %dma_wait3A_102] : memref<40x128xi32, #tpu.memory_space<vmem>> -> memref<1x128xi32, #tpu.memory_space<vmem>>
      %dma_wait3A_104 = tpu.memref_squeeze %dma_wait3A_103 : memref<1x128xi32, #tpu.memory_space<vmem>> -> memref<128xi32, #tpu.memory_space<vmem>>
      %dma_wait3A_105 = arith.constant 0 : i32
      %dma_wait3A_106 = tpu.memref_slice %arg19[%dma_wait3A_105] : memref<10112xf32, #tpu.memory_space<vmem_shared>> -> memref<10112xf32, #tpu.memory_space<vmem_shared>>
      tpu.wait_indirect_dma semaphore(%arg17 : memref<!tpu.dma_semaphore, #tpu.memory_space<semaphore_mem>>) src(%dma_wait3A_101 : memref<128xf32, #tpu.memory_space<vmem>>) dst(%dma_wait3A_106 : memref<10112xf32, #tpu.memory_space<vmem_shared>>)
    } else {
    }
    %add3A_49 = arith.constant 40 : i32
    %add3A_50 = arith.addi %mul3A_0, %add3A_49 : i32
    "tpu.region"() ({
      %run_scoped3A = tpu.sem_alloc : memref<!tpu.dma_semaphore, #tpu.memory_space<semaphore_mem>>
      %dma_start3A_99 = arith.constant 0 : i32
      %dma_start3A_100 = tpu.memref_slice %arg3[%arg0, %add3A_50, %dma_start3A_99] : memref<2x1280x128xi32, #tpu.memory_space<hbm>> -> memref<1x40x128xi32, #tpu.memory_space<hbm>>
      %dma_start3A_101 = tpu.memref_squeeze %dma_start3A_100 : memref<1x40x128xi32, #tpu.memory_space<hbm>> -> memref<40x128xi32, #tpu.memory_space<hbm>>
      %dma_start3A_102 = arith.constant 0 : i32
      %dma_start3A_103 = tpu.memref_slice %arg3[%arg0, %add3A_50, %dma_start3A_102] : memref<2x1280x128xi32, #tpu.memory_space<hbm>> -> memref<1x40x128xi32, #tpu.memory_space<hbm>>
      %dma_start3A_104 = tpu.memref_squeeze %dma_start3A_103 : memref<1x40x128xi32, #tpu.memory_space<hbm>> -> memref<40x128xi32, #tpu.memory_space<hbm>>
      tpu.enqueue_dma source(%dma_start3A_104 : memref<40x128xi32, #tpu.memory_space<hbm>>) target(%arg8 : memref<40x128xi32, #tpu.memory_space<vmem>>) target_semaphore(%run_scoped3A : memref<!tpu.dma_semaphore, #tpu.memory_space<semaphore_mem>>)
      %dma_wait3A_105 = arith.constant 0 : i32
      %dma_wait3A_106 = tpu.memref_slice %arg3[%arg0, %add3A_50, %dma_wait3A_105] : memref<2x1280x128xi32, #tpu.memory_space<hbm>> -> memref<1x40x128xi32, #tpu.memory_space<hbm>>
      %dma_wait3A_107 = tpu.memref_squeeze %dma_wait3A_106 : memref<1x40x128xi32, #tpu.memory_space<hbm>> -> memref<40x128xi32, #tpu.memory_space<hbm>>
      %dma_wait3A_108 = arith.constant 0 : i32
      %dma_wait3A_109 = tpu.memref_slice %arg3[%arg0, %add3A_50, %dma_wait3A_108] : memref<2x1280x128xi32, #tpu.memory_space<hbm>> -> memref<1x40x128xi32, #tpu.memory_space<hbm>>
      %dma_wait3A_110 = tpu.memref_squeeze %dma_wait3A_109 : memref<1x40x128xi32, #tpu.memory_space<hbm>> -> memref<40x128xi32, #tpu.memory_space<hbm>>
      tpu.wait_dma2 semaphore(%run_scoped3A : memref<!tpu.dma_semaphore, #tpu.memory_space<semaphore_mem>>) src(%dma_wait3A_110 : memref<40x128xi32, #tpu.memory_space<hbm>>) dst(%arg8 : memref<40x128xi32, #tpu.memory_space<vmem>>)
      tpu.yield
    }) : () -> ()
    %add3A_51 = arith.constant 40 : i32
    %add3A_52 = arith.addi %mul3A_0, %add3A_51 : i32
    "tpu.region"() ({
      %run_scoped3A = tpu.sem_alloc : memref<!tpu.dma_semaphore, #tpu.memory_space<semaphore_mem>>
      %dma_start3A_99 = arith.constant 0 : i32
      %dma_start3A_100 = tpu.memref_slice %arg4[%arg0, %add3A_52, %dma_start3A_99] : memref<2x1280x128xi32, #tpu.memory_space<hbm>> -> memref<1x40x128xi32, #tpu.memory_space<hbm>>
      %dma_start3A_101 = tpu.memref_squeeze %dma_start3A_100 : memref<1x40x128xi32, #tpu.memory_space<hbm>> -> memref<40x128xi32, #tpu.memory_space<hbm>>
      %dma_start3A_102 = arith.constant 0 : i32
      %dma_start3A_103 = tpu.memref_slice %arg4[%arg0, %add3A_52, %dma_start3A_102] : memref<2x1280x128xi32, #tpu.memory_space<hbm>> -> memref<1x40x128xi32, #tpu.memory_space<hbm>>
      %dma_start3A_104 = tpu.memref_squeeze %dma_start3A_103 : memref<1x40x128xi32, #tpu.memory_space<hbm>> -> memref<40x128xi32, #tpu.memory_space<hbm>>
      tpu.enqueue_dma source(%dma_start3A_104 : memref<40x128xi32, #tpu.memory_space<hbm>>) target(%arg9 : memref<40x128xi32, #tpu.memory_space<vmem>>) target_semaphore(%run_scoped3A : memref<!tpu.dma_semaphore, #tpu.memory_space<semaphore_mem>>)
      %dma_wait3A_105 = arith.constant 0 : i32
      %dma_wait3A_106 = tpu.memref_slice %arg4[%arg0, %add3A_52, %dma_wait3A_105] : memref<2x1280x128xi32, #tpu.memory_space<hbm>> -> memref<1x40x128xi32, #tpu.memory_space<hbm>>
      %dma_wait3A_107 = tpu.memref_squeeze %dma_wait3A_106 : memref<1x40x128xi32, #tpu.memory_space<hbm>> -> memref<40x128xi32, #tpu.memory_space<hbm>>
      %dma_wait3A_108 = arith.constant 0 : i32
      %dma_wait3A_109 = tpu.memref_slice %arg4[%arg0, %add3A_52, %dma_wait3A_108] : memref<2x1280x128xi32, #tpu.memory_space<hbm>> -> memref<1x40x128xi32, #tpu.memory_space<hbm>>
      %dma_wait3A_110 = tpu.memref_squeeze %dma_wait3A_109 : memref<1x40x128xi32, #tpu.memory_space<hbm>> -> memref<40x128xi32, #tpu.memory_space<hbm>>
      tpu.wait_dma2 semaphore(%run_scoped3A : memref<!tpu.dma_semaphore, #tpu.memory_space<semaphore_mem>>) src(%dma_wait3A_110 : memref<40x128xi32, #tpu.memory_space<hbm>>) dst(%arg9 : memref<40x128xi32, #tpu.memory_space<vmem>>)
      tpu.yield
    }) : () -> ()
    %dma_start3A_53 = arith.constant 0 : i32
    %dma_start3A_54 = arith.constant 0 : i32
    %dma_start3A_55 = tpu.memref_slice %arg8[%dma_start3A_53, %dma_start3A_54] : memref<40x128xi32, #tpu.memory_space<vmem>> -> memref<1x128xi32, #tpu.memory_space<vmem>>
    %dma_start3A_56 = tpu.memref_squeeze %dma_start3A_55 : memref<1x128xi32, #tpu.memory_space<vmem>> -> memref<128xi32, #tpu.memory_space<vmem>>
    %dma_start3A_57 = arith.constant 0 : i32
    %dma_start3A_58 = arith.constant 0 : i32
    %dma_start3A_59 = tpu.memref_slice %arg2[%dma_start3A_57, %dma_start3A_58] : memref<20000x128xf32, #tpu.memory_space<hbm>> -> memref<20000x128xf32, #tpu.memory_space<hbm>>
    tpu.enqueue_indirect_dma source(%dma_start3A_59 : memref<20000x128xf32, #tpu.memory_space<hbm>>) target(%arg10 : memref<128x128xf32, #tpu.memory_space<vmem>>) offsets(%dma_start3A_56 : memref<128xi32, #tpu.memory_space<vmem>>) semaphore(%arg13 : memref<!tpu.dma_semaphore, #tpu.memory_space<semaphore_mem>>)
    %scan3A_60 = arith.constant 0 : i32
    %scan3A_61 = arith.constant 0 : i32
    %scan3A_62 = arith.constant 40 : i32
    %scan3A_63 = arith.addi %scan3A_61, %scan3A_62 : i32
    %scan3A_64 = arith.constant 1 : i32
    %scan3A_65 = scf.for %scan3A_99 = %scan3A_61 to %scan3A_63 step %scan3A_64 iter_args(%scan3A_100 = %scan3A_60) -> (i32)  : i32 {
      %rem3A = arith.constant 2 : i32
      %rem3A_101 = arith.remsi %scan3A_99, %rem3A : i32
      %eq3A_102 = arith.constant 0 : i32
      %eq3A_103 = arith.cmpi eq, %rem3A_101, %eq3A_102 : i32
      %convert_element_type3A_104 = arith.extui %eq3A_103 : i1 to i32
      %cond3A_105 = arith.constant 0 : i32
      %cond3A_106 = arith.cmpi ne, %convert_element_type3A_104, %cond3A_105 : i32
      scf.if %cond3A_106 {
        %ge3A = arith.constant 1 : i32
        %ge3A_120 = arith.cmpi sge, %scan3A_99, %ge3A : i32
        %convert_element_type3A_121 = arith.extui %ge3A_120 : i1 to i32
        %cond3A_122 = arith.constant 0 : i32
        %cond3A_123 = arith.cmpi ne, %convert_element_type3A_121, %cond3A_122 : i32
        scf.if %cond3A_123 {
          %dma_wait3A_141 = arith.constant 0 : i32
          %dma_wait3A_142 = arith.constant 0 : i32
          %dma_wait3A_143 = tpu.memref_slice %arg9[%dma_wait3A_141, %dma_wait3A_142] : memref<40x128xi32, #tpu.memory_space<vmem>> -> memref<1x128xi32, #tpu.memory_space<vmem>>
          %dma_wait3A_144 = tpu.memref_squeeze %dma_wait3A_143 : memref<1x128xi32, #tpu.memory_space<vmem>> -> memref<128xi32, #tpu.memory_space<vmem>>
          %dma_wait3A_145 = arith.constant 0 : i32
          %dma_wait3A_146 = arith.constant 0 : i32
          %dma_wait3A_147 = tpu.memref_slice %arg12[%dma_wait3A_145, %dma_wait3A_146] : memref<10016x128xf32, #tpu.memory_space<vmem_shared>> -> memref<10016x128xf32, #tpu.memory_space<vmem_shared>>
          tpu.wait_indirect_dma semaphore(%arg16 : memref<!tpu.dma_semaphore, #tpu.memory_space<semaphore_mem>>) src(%arg11 : memref<128x128xf32, #tpu.memory_space<vmem>>) dst(%dma_wait3A_147 : memref<10016x128xf32, #tpu.memory_space<vmem_shared>>)
        } else {
        }
        %lt3A_124 = arith.constant 39 : i32
        %lt3A_125 = arith.cmpi slt, %scan3A_99, %lt3A_124 : i32
        %convert_element_type3A_126 = arith.extui %lt3A_125 : i1 to i32
        %cond3A_127 = arith.constant 0 : i32
        %cond3A_128 = arith.cmpi ne, %convert_element_type3A_126, %cond3A_127 : i32
        scf.if %cond3A_128 {
          %add3A_141 = arith.constant 1 : i32
          %add3A_142 = arith.addi %scan3A_99, %add3A_141 : i32
          %dma_start3A_143 = arith.constant 0 : i32
          %dma_start3A_144 = tpu.memref_slice %arg8[%add3A_142, %dma_start3A_143] : memref<40x128xi32, #tpu.memory_space<vmem>> -> memref<1x128xi32, #tpu.memory_space<vmem>>
          %dma_start3A_145 = tpu.memref_squeeze %dma_start3A_144 : memref<1x128xi32, #tpu.memory_space<vmem>> -> memref<128xi32, #tpu.memory_space<vmem>>
          %dma_start3A_146 = arith.constant 0 : i32
          %dma_start3A_147 = arith.constant 0 : i32
          %dma_start3A_148 = tpu.memref_slice %arg2[%dma_start3A_146, %dma_start3A_147] : memref<20000x128xf32, #tpu.memory_space<hbm>> -> memref<20000x128xf32, #tpu.memory_space<hbm>>
          tpu.enqueue_indirect_dma source(%dma_start3A_148 : memref<20000x128xf32, #tpu.memory_space<hbm>>) target(%arg11 : memref<128x128xf32, #tpu.memory_space<vmem>>) offsets(%dma_start3A_145 : memref<128xi32, #tpu.memory_space<vmem>>) semaphore(%arg14 : memref<!tpu.dma_semaphore, #tpu.memory_space<semaphore_mem>>)
        } else {
        }
        %dma_wait3A_129 = arith.constant 0 : i32
        %dma_wait3A_130 = tpu.memref_slice %arg8[%scan3A_99, %dma_wait3A_129] : memref<40x128xi32, #tpu.memory_space<vmem>> -> memref<1x128xi32, #tpu.memory_space<vmem>>
        %dma_wait3A_131 = tpu.memref_squeeze %dma_wait3A_130 : memref<1x128xi32, #tpu.memory_space<vmem>> -> memref<128xi32, #tpu.memory_space<vmem>>
        %dma_wait3A_132 = arith.constant 0 : i32
        %dma_wait3A_133 = arith.constant 0 : i32
        %dma_wait3A_134 = tpu.memref_slice %arg2[%dma_wait3A_132, %dma_wait3A_133] : memref<20000x128xf32, #tpu.memory_space<hbm>> -> memref<20000x128xf32, #tpu.memory_space<hbm>>
        tpu.wait_indirect_dma semaphore(%arg13 : memref<!tpu.dma_semaphore, #tpu.memory_space<semaphore_mem>>) src(%dma_wait3A_134 : memref<20000x128xf32, #tpu.memory_space<hbm>>) dst(%arg10 : memref<128x128xf32, #tpu.memory_space<vmem>>)
        %dma_start3A_135 = arith.constant 0 : i32
        %dma_start3A_136 = tpu.memref_slice %arg9[%scan3A_99, %dma_start3A_135] : memref<40x128xi32, #tpu.memory_space<vmem>> -> memref<1x128xi32, #tpu.memory_space<vmem>>
        %dma_start3A_137 = tpu.memref_squeeze %dma_start3A_136 : memref<1x128xi32, #tpu.memory_space<vmem>> -> memref<128xi32, #tpu.memory_space<vmem>>
        %dma_start3A_138 = arith.constant 0 : i32
        %dma_start3A_139 = arith.constant 0 : i32
        %dma_start3A_140 = tpu.memref_slice %arg12[%dma_start3A_138, %dma_start3A_139] : memref<10016x128xf32, #tpu.memory_space<vmem_shared>> -> memref<10016x128xf32, #tpu.memory_space<vmem_shared>>
        tpu.enqueue_indirect_dma source(%arg10 : memref<128x128xf32, #tpu.memory_space<vmem>>) target(%dma_start3A_140 : memref<10016x128xf32, #tpu.memory_space<vmem_shared>>) offsets(%dma_start3A_137 : memref<128xi32, #tpu.memory_space<vmem>>) semaphore(%arg15 : memref<!tpu.dma_semaphore, #tpu.memory_space<semaphore_mem>>) {add = true}
      } else {
      }
      %rem3A_107 = arith.constant 2 : i32
      %rem3A_108 = arith.remsi %scan3A_99, %rem3A_107 : i32
      %eq3A_109 = arith.constant 1 : i32
      %eq3A_110 = arith.cmpi eq, %rem3A_108, %eq3A_109 : i32
      %convert_element_type3A_111 = arith.extui %eq3A_110 : i1 to i32
      %cond3A_112 = arith.constant 0 : i32
      %cond3A_113 = arith.cmpi ne, %convert_element_type3A_111, %cond3A_112 : i32
      scf.if %cond3A_113 {
        %ge3A = arith.constant 1 : i32
        %ge3A_120 = arith.cmpi sge, %scan3A_99, %ge3A : i32
        %convert_element_type3A_121 = arith.extui %ge3A_120 : i1 to i32
        %cond3A_122 = arith.constant 0 : i32
        %cond3A_123 = arith.cmpi ne, %convert_element_type3A_121, %cond3A_122 : i32
        scf.if %cond3A_123 {
          %dma_wait3A_141 = arith.constant 0 : i32
          %dma_wait3A_142 = arith.constant 0 : i32
          %dma_wait3A_143 = tpu.memref_slice %arg9[%dma_wait3A_141, %dma_wait3A_142] : memref<40x128xi32, #tpu.memory_space<vmem>> -> memref<1x128xi32, #tpu.memory_space<vmem>>
          %dma_wait3A_144 = tpu.memref_squeeze %dma_wait3A_143 : memref<1x128xi32, #tpu.memory_space<vmem>> -> memref<128xi32, #tpu.memory_space<vmem>>
          %dma_wait3A_145 = arith.constant 0 : i32
          %dma_wait3A_146 = arith.constant 0 : i32
          %dma_wait3A_147 = tpu.memref_slice %arg12[%dma_wait3A_145, %dma_wait3A_146] : memref<10016x128xf32, #tpu.memory_space<vmem_shared>> -> memref<10016x128xf32, #tpu.memory_space<vmem_shared>>
          tpu.wait_indirect_dma semaphore(%arg15 : memref<!tpu.dma_semaphore, #tpu.memory_space<semaphore_mem>>) src(%arg10 : memref<128x128xf32, #tpu.memory_space<vmem>>) dst(%dma_wait3A_147 : memref<10016x128xf32, #tpu.memory_space<vmem_shared>>)
        } else {
        }
        %lt3A_124 = arith.constant 39 : i32
        %lt3A_125 = arith.cmpi slt, %scan3A_99, %lt3A_124 : i32
        %convert_element_type3A_126 = arith.extui %lt3A_125 : i1 to i32
        %cond3A_127 = arith.constant 0 : i32
        %cond3A_128 = arith.cmpi ne, %convert_element_type3A_126, %cond3A_127 : i32
        scf.if %cond3A_128 {
          %add3A_141 = arith.constant 1 : i32
          %add3A_142 = arith.addi %scan3A_99, %add3A_141 : i32
          %dma_start3A_143 = arith.constant 0 : i32
          %dma_start3A_144 = tpu.memref_slice %arg8[%add3A_142, %dma_start3A_143] : memref<40x128xi32, #tpu.memory_space<vmem>> -> memref<1x128xi32, #tpu.memory_space<vmem>>
          %dma_start3A_145 = tpu.memref_squeeze %dma_start3A_144 : memref<1x128xi32, #tpu.memory_space<vmem>> -> memref<128xi32, #tpu.memory_space<vmem>>
          %dma_start3A_146 = arith.constant 0 : i32
          %dma_start3A_147 = arith.constant 0 : i32
          %dma_start3A_148 = tpu.memref_slice %arg2[%dma_start3A_146, %dma_start3A_147] : memref<20000x128xf32, #tpu.memory_space<hbm>> -> memref<20000x128xf32, #tpu.memory_space<hbm>>
          tpu.enqueue_indirect_dma source(%dma_start3A_148 : memref<20000x128xf32, #tpu.memory_space<hbm>>) target(%arg10 : memref<128x128xf32, #tpu.memory_space<vmem>>) offsets(%dma_start3A_145 : memref<128xi32, #tpu.memory_space<vmem>>) semaphore(%arg13 : memref<!tpu.dma_semaphore, #tpu.memory_space<semaphore_mem>>)
        } else {
        }
        %dma_wait3A_129 = arith.constant 0 : i32
        %dma_wait3A_130 = tpu.memref_slice %arg8[%scan3A_99, %dma_wait3A_129] : memref<40x128xi32, #tpu.memory_space<vmem>> -> memref<1x128xi32, #tpu.memory_space<vmem>>
        %dma_wait3A_131 = tpu.memref_squeeze %dma_wait3A_130 : memref<1x128xi32, #tpu.memory_space<vmem>> -> memref<128xi32, #tpu.memory_space<vmem>>
        %dma_wait3A_132 = arith.constant 0 : i32
        %dma_wait3A_133 = arith.constant 0 : i32
        %dma_wait3A_134 = tpu.memref_slice %arg2[%dma_wait3A_132, %dma_wait3A_133] : memref<20000x128xf32, #tpu.memory_space<hbm>> -> memref<20000x128xf32, #tpu.memory_space<hbm>>
        tpu.wait_indirect_dma semaphore(%arg14 : memref<!tpu.dma_semaphore, #tpu.memory_space<semaphore_mem>>) src(%dma_wait3A_134 : memref<20000x128xf32, #tpu.memory_space<hbm>>) dst(%arg11 : memref<128x128xf32, #tpu.memory_space<vmem>>)
        %dma_start3A_135 = arith.constant 0 : i32
        %dma_start3A_136 = tpu.memref_slice %arg9[%scan3A_99, %dma_start3A_135] : memref<40x128xi32, #tpu.memory_space<vmem>> -> memref<1x128xi32, #tpu.memory_space<vmem>>
        %dma_start3A_137 = tpu.memref_squeeze %dma_start3A_136 : memref<1x128xi32, #tpu.memory_space<vmem>> -> memref<128xi32, #tpu.memory_space<vmem>>
        %dma_start3A_138 = arith.constant 0 : i32
        %dma_start3A_139 = arith.constant 0 : i32
        %dma_start3A_140 = tpu.memref_slice %arg12[%dma_start3A_138, %dma_start3A_139] : memref<10016x128xf32, #tpu.memory_space<vmem_shared>> -> memref<10016x128xf32, #tpu.memory_space<vmem_shared>>
        tpu.enqueue_indirect_dma source(%arg11 : memref<128x128xf32, #tpu.memory_space<vmem>>) target(%dma_start3A_140 : memref<10016x128xf32, #tpu.memory_space<vmem_shared>>) offsets(%dma_start3A_137 : memref<128xi32, #tpu.memory_space<vmem>>) semaphore(%arg16 : memref<!tpu.dma_semaphore, #tpu.memory_space<semaphore_mem>>) {add = true}
      } else {
      }
      %eq3A_114 = arith.constant 1 : i32
      %eq3A_115 = arith.cmpi eq, %arg0, %eq3A_114 : i32
      %convert_element_type3A_116 = arith.extui %eq3A_115 : i1 to i32
      %cond3A_117 = arith.constant 0 : i32
      %cond3A_118 = arith.cmpi ne, %convert_element_type3A_116, %cond3A_117 : i32
      scf.if %cond3A_118 {
        %ge3A = arith.constant 1 : i32
        %ge3A_120 = arith.cmpi sge, %scan3A_99, %ge3A : i32
        %convert_element_type3A_121 = arith.extui %ge3A_120 : i1 to i32
        %cond3A_122 = arith.constant 0 : i32
        %cond3A_123 = arith.cmpi ne, %convert_element_type3A_121, %cond3A_122 : i32
        scf.if %cond3A_123 {
          %dma_wait3A_131 = arith.constant 0 : i32
          %dma_wait3A_132 = arith.constant 0 : i32
          %dma_wait3A_133 = tpu.memref_slice %arg18[%dma_wait3A_132] : memref<640xf32, #tpu.memory_space<vmem>> -> memref<128xf32, #tpu.memory_space<vmem>>
          %dma_wait3A_134 = arith.constant 0 : i32
          %dma_wait3A_135 = tpu.memref_slice %arg9[%dma_wait3A_131, %dma_wait3A_134] : memref<40x128xi32, #tpu.memory_space<vmem>> -> memref<1x128xi32, #tpu.memory_space<vmem>>
          %dma_wait3A_136 = tpu.memref_squeeze %dma_wait3A_135 : memref<1x128xi32, #tpu.memory_space<vmem>> -> memref<128xi32, #tpu.memory_space<vmem>>
          %dma_wait3A_137 = arith.constant 0 : i32
          %dma_wait3A_138 = tpu.memref_slice %arg19[%dma_wait3A_137] : memref<10112xf32, #tpu.memory_space<vmem_shared>> -> memref<10112xf32, #tpu.memory_space<vmem_shared>>
          tpu.wait_indirect_dma semaphore(%arg17 : memref<!tpu.dma_semaphore, #tpu.memory_space<semaphore_mem>>) src(%dma_wait3A_133 : memref<128xf32, #tpu.memory_space<vmem>>) dst(%dma_wait3A_138 : memref<10112xf32, #tpu.memory_space<vmem_shared>>)
        } else {
        }
        %dma_start3A_124 = arith.constant 0 : i32
        %dma_start3A_125 = tpu.memref_slice %arg18[%dma_start3A_124] : memref<640xf32, #tpu.memory_space<vmem>> -> memref<128xf32, #tpu.memory_space<vmem>>
        %dma_start3A_126 = arith.constant 0 : i32
        %dma_start3A_127 = tpu.memref_slice %arg9[%scan3A_99, %dma_start3A_126] : memref<40x128xi32, #tpu.memory_space<vmem>> -> memref<1x128xi32, #tpu.memory_space<vmem>>
        %dma_start3A_128 = tpu.memref_squeeze %dma_start3A_127 : memref<1x128xi32, #tpu.memory_space<vmem>> -> memref<128xi32, #tpu.memory_space<vmem>>
        %dma_start3A_129 = arith.constant 0 : i32
        %dma_start3A_130 = tpu.memref_slice %arg19[%dma_start3A_129] : memref<10112xf32, #tpu.memory_space<vmem_shared>> -> memref<10112xf32, #tpu.memory_space<vmem_shared>>
        tpu.enqueue_indirect_dma source(%dma_start3A_125 : memref<128xf32, #tpu.memory_space<vmem>>) target(%dma_start3A_130 : memref<10112xf32, #tpu.memory_space<vmem_shared>>) offsets(%dma_start3A_128 : memref<128xi32, #tpu.memory_space<vmem>>) semaphore(%arg17 : memref<!tpu.dma_semaphore, #tpu.memory_space<semaphore_mem>>) {add = true}
      } else {
      }
      %scan3A_119 = arith.constant 0 : i32
      scf.yield %scan3A_119 : i32
    }
    %scan3A_66 = arith.constant 40 : i32
    %dma_wait3A_67 = arith.constant 0 : i32
    %dma_wait3A_68 = arith.constant 0 : i32
    %dma_wait3A_69 = tpu.memref_slice %arg9[%dma_wait3A_67, %dma_wait3A_68] : memref<40x128xi32, #tpu.memory_space<vmem>> -> memref<1x128xi32, #tpu.memory_space<vmem>>
    %dma_wait3A_70 = tpu.memref_squeeze %dma_wait3A_69 : memref<1x128xi32, #tpu.memory_space<vmem>> -> memref<128xi32, #tpu.memory_space<vmem>>
    %dma_wait3A_71 = arith.constant 0 : i32
    %dma_wait3A_72 = arith.constant 0 : i32
    %dma_wait3A_73 = tpu.memref_slice %arg12[%dma_wait3A_71, %dma_wait3A_72] : memref<10016x128xf32, #tpu.memory_space<vmem_shared>> -> memref<10016x128xf32, #tpu.memory_space<vmem_shared>>
    tpu.wait_indirect_dma semaphore(%arg16 : memref<!tpu.dma_semaphore, #tpu.memory_space<semaphore_mem>>) src(%arg11 : memref<128x128xf32, #tpu.memory_space<vmem>>) dst(%dma_wait3A_73 : memref<10016x128xf32, #tpu.memory_space<vmem_shared>>)
    %eq3A_74 = arith.constant 1 : i32
    %eq3A_75 = arith.cmpi eq, %arg0, %eq3A_74 : i32
    %convert_element_type3A_76 = arith.extui %eq3A_75 : i1 to i32
    %cond3A_77 = arith.constant 0 : i32
    %cond3A_78 = arith.cmpi ne, %convert_element_type3A_76, %cond3A_77 : i32
    scf.if %cond3A_78 {
      %dma_wait3A_99 = arith.constant 0 : i32
      %dma_wait3A_100 = arith.constant 0 : i32
      %dma_wait3A_101 = tpu.memref_slice %arg18[%dma_wait3A_100] : memref<640xf32, #tpu.memory_space<vmem>> -> memref<128xf32, #tpu.memory_space<vmem>>
      %dma_wait3A_102 = arith.constant 0 : i32
      %dma_wait3A_103 = tpu.memref_slice %arg9[%dma_wait3A_99, %dma_wait3A_102] : memref<40x128xi32, #tpu.memory_space<vmem>> -> memref<1x128xi32, #tpu.memory_space<vmem>>
      %dma_wait3A_104 = tpu.memref_squeeze %dma_wait3A_103 : memref<1x128xi32, #tpu.memory_space<vmem>> -> memref<128xi32, #tpu.memory_space<vmem>>
      %dma_wait3A_105 = arith.constant 0 : i32
      %dma_wait3A_106 = tpu.memref_slice %arg19[%dma_wait3A_105] : memref<10112xf32, #tpu.memory_space<vmem_shared>> -> memref<10112xf32, #tpu.memory_space<vmem_shared>>
      tpu.wait_indirect_dma semaphore(%arg17 : memref<!tpu.dma_semaphore, #tpu.memory_space<semaphore_mem>>) src(%dma_wait3A_101 : memref<128xf32, #tpu.memory_space<vmem>>) dst(%dma_wait3A_106 : memref<10112xf32, #tpu.memory_space<vmem_shared>>)
    } else {
    }
    %barrier3A_79 = arith.constant 0 : index
    tpu.barrier barrier_id(%barrier3A_79)
    %mul3A_80 = arith.constant 624 : i32
    %mul3A_81 = arith.muli %arg1, %mul3A_80 : i32
    %mul3A_82 = arith.constant 624 : i32
    %mul3A_83 = arith.muli %arg1, %mul3A_82 : i32
    "tpu.region"() ({
      %run_scoped3A = tpu.sem_alloc : memref<!tpu.dma_semaphore, #tpu.memory_space<semaphore_mem>>
      %dma_start3A_99 = arith.constant 0 : i32
      %dma_start3A_100 = tpu.memref_slice %arg6[%arg0, %mul3A_83, %dma_start3A_99] : memref<2x10000x128xf32, #tpu.memory_space<hbm>> -> memref<1x624x128xf32, #tpu.memory_space<hbm>>
      %dma_start3A_101 = tpu.memref_squeeze %dma_start3A_100 : memref<1x624x128xf32, #tpu.memory_space<hbm>> -> memref<624x128xf32, #tpu.memory_space<hbm>>
      %dma_start3A_102 = arith.constant 0 : i32
      %dma_start3A_103 = tpu.memref_slice %arg12[%mul3A_81, %dma_start3A_102] : memref<10016x128xf32, #tpu.memory_space<vmem_shared>> -> memref<624x128xf32, #tpu.memory_space<vmem_shared>>
      tpu.enqueue_dma source(%dma_start3A_103 : memref<624x128xf32, #tpu.memory_space<vmem_shared>>) target(%dma_start3A_101 : memref<624x128xf32, #tpu.memory_space<hbm>>) target_semaphore(%run_scoped3A : memref<!tpu.dma_semaphore, #tpu.memory_space<semaphore_mem>>)
      %dma_wait3A_104 = arith.constant 0 : i32
      %dma_wait3A_105 = tpu.memref_slice %arg6[%arg0, %mul3A_83, %dma_wait3A_104] : memref<2x10000x128xf32, #tpu.memory_space<hbm>> -> memref<1x624x128xf32, #tpu.memory_space<hbm>>
      %dma_wait3A_106 = tpu.memref_squeeze %dma_wait3A_105 : memref<1x624x128xf32, #tpu.memory_space<hbm>> -> memref<624x128xf32, #tpu.memory_space<hbm>>
      %dma_wait3A_107 = arith.constant 0 : i32
      %dma_wait3A_108 = tpu.memref_slice %arg12[%mul3A_81, %dma_wait3A_107] : memref<10016x128xf32, #tpu.memory_space<vmem_shared>> -> memref<624x128xf32, #tpu.memory_space<vmem_shared>>
      tpu.wait_dma2 semaphore(%run_scoped3A : memref<!tpu.dma_semaphore, #tpu.memory_space<semaphore_mem>>) src(%dma_wait3A_108 : memref<624x128xf32, #tpu.memory_space<vmem_shared>>) dst(%dma_wait3A_106 : memref<624x128xf32, #tpu.memory_space<hbm>>)
      tpu.yield
    }) : () -> ()
    %eq3A_84 = arith.constant 15 : i32
    %eq3A_85 = arith.cmpi eq, %arg1, %eq3A_84 : i32
    %convert_element_type3A_86 = arith.extui %eq3A_85 : i1 to i32
    %cond3A_87 = arith.constant 0 : i32
    %cond3A_88 = arith.cmpi ne, %convert_element_type3A_86, %cond3A_87 : i32
    scf.if %cond3A_88 {
      "tpu.region"() ({
        %run_scoped3A = tpu.sem_alloc : memref<!tpu.dma_semaphore, #tpu.memory_space<semaphore_mem>>
        %dma_start3A_99 = arith.constant 9984 : i32
        %dma_start3A_100 = arith.constant 0 : i32
        %dma_start3A_101 = tpu.memref_slice %arg6[%arg0, %dma_start3A_99, %dma_start3A_100] : memref<2x10000x128xf32, #tpu.memory_space<hbm>> -> memref<1x16x128xf32, #tpu.memory_space<hbm>>
        %dma_start3A_102 = tpu.memref_squeeze %dma_start3A_101 : memref<1x16x128xf32, #tpu.memory_space<hbm>> -> memref<16x128xf32, #tpu.memory_space<hbm>>
        %dma_start3A_103 = arith.constant 9984 : i32
        %dma_start3A_104 = arith.constant 0 : i32
        %dma_start3A_105 = tpu.memref_slice %arg12[%dma_start3A_103, %dma_start3A_104] : memref<10016x128xf32, #tpu.memory_space<vmem_shared>> -> memref<16x128xf32, #tpu.memory_space<vmem_shared>>
        tpu.enqueue_dma source(%dma_start3A_105 : memref<16x128xf32, #tpu.memory_space<vmem_shared>>) target(%dma_start3A_102 : memref<16x128xf32, #tpu.memory_space<hbm>>) target_semaphore(%run_scoped3A : memref<!tpu.dma_semaphore, #tpu.memory_space<semaphore_mem>>)
        %dma_wait3A_106 = arith.constant 9984 : i32
        %dma_wait3A_107 = arith.constant 0 : i32
        %dma_wait3A_108 = tpu.memref_slice %arg6[%arg0, %dma_wait3A_106, %dma_wait3A_107] : memref<2x10000x128xf32, #tpu.memory_space<hbm>> -> memref<1x16x128xf32, #tpu.memory_space<hbm>>
        %dma_wait3A_109 = tpu.memref_squeeze %dma_wait3A_108 : memref<1x16x128xf32, #tpu.memory_space<hbm>> -> memref<16x128xf32, #tpu.memory_space<hbm>>
        %dma_wait3A_110 = arith.constant 9984 : i32
        %dma_wait3A_111 = arith.constant 0 : i32
        %dma_wait3A_112 = tpu.memref_slice %arg12[%dma_wait3A_110, %dma_wait3A_111] : memref<10016x128xf32, #tpu.memory_space<vmem_shared>> -> memref<16x128xf32, #tpu.memory_space<vmem_shared>>
        tpu.wait_dma2 semaphore(%run_scoped3A : memref<!tpu.dma_semaphore, #tpu.memory_space<semaphore_mem>>) src(%dma_wait3A_112 : memref<16x128xf32, #tpu.memory_space<vmem_shared>>) dst(%dma_wait3A_109 : memref<16x128xf32, #tpu.memory_space<hbm>>)
        tpu.yield
      }) : () -> ()
    } else {
    }
    %lt3A_89 = arith.constant 15 : i32
    %lt3A_90 = arith.cmpi slt, %arg1, %lt3A_89 : i32
    %convert_element_type3A_91 = arith.extui %lt3A_90 : i1 to i32
    %cond3A_92 = arith.constant 0 : i32
    %cond3A_93 = arith.cmpi ne, %convert_element_type3A_91, %cond3A_92 : i32
    scf.if %cond3A_93 {
      %mul3A_99 = arith.constant 5 : i32
      %mul3A_100 = arith.muli %arg1, %mul3A_99 : i32
      %mul3A_101 = arith.constant 128 : i32
      %mul3A_102 = arith.muli %mul3A_100, %mul3A_101 : i32
      %mul3A_103 = arith.constant 5 : i32
      %mul3A_104 = arith.muli %arg1, %mul3A_103 : i32
      %mul3A_105 = arith.constant 128 : i32
      %mul3A_106 = arith.muli %mul3A_104, %mul3A_105 : i32
      "tpu.region"() ({
        %run_scoped3A = tpu.sem_alloc : memref<!tpu.dma_semaphore, #tpu.memory_space<semaphore_mem>>
        %dma_start3A_107 = tpu.memref_slice %arg7[%arg0, %mul3A_106] : memref<2x10112xf32, #tpu.memory_space<hbm>> -> memref<1x640xf32, #tpu.memory_space<hbm>>
        %dma_start3A_108 = tpu.memref_squeeze %dma_start3A_107 : memref<1x640xf32, #tpu.memory_space<hbm>> -> memref<640xf32, #tpu.memory_space<hbm>>
        %dma_start3A_109 = tpu.memref_slice %arg19[%mul3A_102] : memref<10112xf32, #tpu.memory_space<vmem_shared>> -> memref<640xf32, #tpu.memory_space<vmem_shared>>
        tpu.enqueue_dma source(%dma_start3A_109 : memref<640xf32, #tpu.memory_space<vmem_shared>>) target(%dma_start3A_108 : memref<640xf32, #tpu.memory_space<hbm>>) target_semaphore(%run_scoped3A : memref<!tpu.dma_semaphore, #tpu.memory_space<semaphore_mem>>)
        %dma_wait3A_110 = tpu.memref_slice %arg7[%arg0, %mul3A_106] : memref<2x10112xf32, #tpu.memory_space<hbm>> -> memref<1x640xf32, #tpu.memory_space<hbm>>
        %dma_wait3A_111 = tpu.memref_squeeze %dma_wait3A_110 : memref<1x640xf32, #tpu.memory_space<hbm>> -> memref<640xf32, #tpu.memory_space<hbm>>
        %dma_wait3A_112 = tpu.memref_slice %arg19[%mul3A_102] : memref<10112xf32, #tpu.memory_space<vmem_shared>> -> memref<640xf32, #tpu.memory_space<vmem_shared>>
        tpu.wait_dma2 semaphore(%run_scoped3A : memref<!tpu.dma_semaphore, #tpu.memory_space<semaphore_mem>>) src(%dma_wait3A_112 : memref<640xf32, #tpu.memory_space<vmem_shared>>) dst(%dma_wait3A_111 : memref<640xf32, #tpu.memory_space<hbm>>)
        tpu.yield
      }) : () -> ()
    } else {
    }
    %eq3A_94 = arith.constant 15 : i32
    %eq3A_95 = arith.cmpi eq, %arg1, %eq3A_94 : i32
    %convert_element_type3A_96 = arith.extui %eq3A_95 : i1 to i32
    %cond3A_97 = arith.constant 0 : i32
    %cond3A_98 = arith.cmpi ne, %convert_element_type3A_96, %cond3A_97 : i32
    scf.if %cond3A_98 {
      "tpu.region"() ({
        %run_scoped3A = tpu.sem_alloc : memref<!tpu.dma_semaphore, #tpu.memory_space<semaphore_mem>>
        %dma_start3A_99 = arith.constant 9600 : i32
        %dma_start3A_100 = tpu.memref_slice %arg7[%arg0, %dma_start3A_99] : memref<2x10112xf32, #tpu.memory_space<hbm>> -> memref<1x512xf32, #tpu.memory_space<hbm>>
        %dma_start3A_101 = tpu.memref_squeeze %dma_start3A_100 : memref<1x512xf32, #tpu.memory_space<hbm>> -> memref<512xf32, #tpu.memory_space<hbm>>
        %dma_start3A_102 = arith.constant 9600 : i32
        %dma_start3A_103 = tpu.memref_slice %arg19[%dma_start3A_102] : memref<10112xf32, #tpu.memory_space<vmem_shared>> -> memref<512xf32, #tpu.memory_space<vmem_shared>>
        tpu.enqueue_dma source(%dma_start3A_103 : memref<512xf32, #tpu.memory_space<vmem_shared>>) target(%dma_start3A_101 : memref<512xf32, #tpu.memory_space<hbm>>) target_semaphore(%run_scoped3A : memref<!tpu.dma_semaphore, #tpu.memory_space<semaphore_mem>>)
        %dma_wait3A_104 = arith.constant 9600 : i32
        %dma_wait3A_105 = tpu.memref_slice %arg7[%arg0, %dma_wait3A_104] : memref<2x10112xf32, #tpu.memory_space<hbm>> -> memref<1x512xf32, #tpu.memory_space<hbm>>
        %dma_wait3A_106 = tpu.memref_squeeze %dma_wait3A_105 : memref<1x512xf32, #tpu.memory_space<hbm>> -> memref<512xf32, #tpu.memory_space<hbm>>
        %dma_wait3A_107 = arith.constant 9600 : i32
        %dma_wait3A_108 = tpu.memref_slice %arg19[%dma_wait3A_107] : memref<10112xf32, #tpu.memory_space<vmem_shared>> -> memref<512xf32, #tpu.memory_space<vmem_shared>>
        tpu.wait_dma2 semaphore(%run_scoped3A : memref<!tpu.dma_semaphore, #tpu.memory_space<semaphore_mem>>) src(%dma_wait3A_108 : memref<512xf32, #tpu.memory_space<vmem_shared>>) dst(%dma_wait3A_106 : memref<512xf32, #tpu.memory_space<hbm>>)
        tpu.yield
      }) : () -> ()
    } else {
    }
    return
  }
}

#map = affine_map<(d0, d1) -> (0, 0)>
#map1 = affine_map<(d0, d1) -> (0, 0, 0)>
module attributes {stable_mosaic.version = 14 : i64} {
  func.func @body(%arg0: i32, %arg1: i32, %arg2: memref<20000x128xf32, #tpu.memory_space<hbm>>, %arg3: memref<2x640x128xi32, #tpu.memory_space<hbm>>, %arg4: memref<2x640x128xi32, #tpu.memory_space<hbm>>, %arg5: memref<10016x128xf32, #tpu.memory_space<hbm>>, %arg6: memref<2x10000x128xf32, #tpu.memory_space<hbm>>, %arg7: memref<40x128xi32, #tpu.memory_space<vmem>>, %arg8: memref<40x128xi32, #tpu.memory_space<vmem>>, %arg9: memref<128x128xf32, #tpu.memory_space<vmem>>, %arg10: memref<128x128xf32, #tpu.memory_space<vmem>>, %arg11: memref<10016x128xf32, #tpu.memory_space<vmem_shared>>, %arg12: memref<!tpu.dma_semaphore, #tpu.memory_space<semaphore_mem>>, %arg13: memref<!tpu.dma_semaphore, #tpu.memory_space<semaphore_mem>>, %arg14: memref<!tpu.dma_semaphore, #tpu.memory_space<semaphore_mem>>, %arg15: memref<!tpu.dma_semaphore, #tpu.memory_space<semaphore_mem>>, %arg16: memref<!tpu.dma_semaphore, #tpu.memory_space<semaphore_mem>>) attributes {dimension_semantics = [#tpu.dimension_semantics<core_parallel>, #tpu.dimension_semantics<subcore_parallel>], iteration_bounds = array<i64: 2, 16>, scalar_prefetch = 0 : i64, scratch_operands = 10 : i64, tpu.core_type = #tpu.core_type<sc_vector_subcore>, window_params = [{transform_indices = #map}, {transform_indices = #map1}, {transform_indices = #map1}, {transform_indices = #map}, {transform_indices = #map1}]} {
    %mul3A = arith.constant 40 : i32
    %mul3A_0 = arith.muli %arg1, %mul3A : i32
    %mul3A_1 = arith.constant 624 : i32
    %mul3A_2 = arith.muli %arg1, %mul3A_1 : i32
    %mul3A_3 = arith.constant 624 : i32
    %mul3A_4 = arith.muli %arg1, %mul3A_3 : i32
    "tpu.region"() ({
      %run_scoped3A = tpu.sem_alloc : memref<!tpu.dma_semaphore, #tpu.memory_space<semaphore_mem>>
      %dma_start3A_38 = arith.constant 0 : i32
      %dma_start3A_39 = tpu.memref_slice %arg11[%mul3A_4, %dma_start3A_38] : memref<10016x128xf32, #tpu.memory_space<vmem_shared>> -> memref<624x128xf32, #tpu.memory_space<vmem_shared>>
      %dma_start3A_40 = arith.constant 0 : i32
      %dma_start3A_41 = tpu.memref_slice %arg5[%mul3A_2, %dma_start3A_40] : memref<10016x128xf32, #tpu.memory_space<hbm>> -> memref<624x128xf32, #tpu.memory_space<hbm>>
      tpu.enqueue_dma source(%dma_start3A_41 : memref<624x128xf32, #tpu.memory_space<hbm>>) target(%dma_start3A_39 : memref<624x128xf32, #tpu.memory_space<vmem_shared>>) target_semaphore(%run_scoped3A : memref<!tpu.dma_semaphore, #tpu.memory_space<semaphore_mem>>)
      %dma_wait3A_42 = arith.constant 0 : i32
      %dma_wait3A_43 = tpu.memref_slice %arg11[%mul3A_4, %dma_wait3A_42] : memref<10016x128xf32, #tpu.memory_space<vmem_shared>> -> memref<624x128xf32, #tpu.memory_space<vmem_shared>>
      %dma_wait3A_44 = arith.constant 0 : i32
      %dma_wait3A_45 = tpu.memref_slice %arg5[%mul3A_2, %dma_wait3A_44] : memref<10016x128xf32, #tpu.memory_space<hbm>> -> memref<624x128xf32, #tpu.memory_space<hbm>>
      tpu.wait_dma2 semaphore(%run_scoped3A : memref<!tpu.dma_semaphore, #tpu.memory_space<semaphore_mem>>) src(%dma_wait3A_45 : memref<624x128xf32, #tpu.memory_space<hbm>>) dst(%dma_wait3A_43 : memref<624x128xf32, #tpu.memory_space<vmem_shared>>)
      tpu.yield
    }) : () -> ()
    %eq3A = arith.constant 15 : i32
    %eq3A_5 = arith.cmpi eq, %arg1, %eq3A : i32
    %convert_element_type3A = arith.extui %eq3A_5 : i1 to i32
    %cond3A = arith.constant 0 : i32
    %cond3A_6 = arith.cmpi ne, %convert_element_type3A, %cond3A : i32
    scf.if %cond3A_6 {
      "tpu.region"() ({
        %run_scoped3A = tpu.sem_alloc : memref<!tpu.dma_semaphore, #tpu.memory_space<semaphore_mem>>
        %dma_start3A_38 = arith.constant 9984 : i32
        %dma_start3A_39 = arith.constant 0 : i32
        %dma_start3A_40 = tpu.memref_slice %arg11[%dma_start3A_38, %dma_start3A_39] : memref<10016x128xf32, #tpu.memory_space<vmem_shared>> -> memref<16x128xf32, #tpu.memory_space<vmem_shared>>
        %dma_start3A_41 = arith.constant 9984 : i32
        %dma_start3A_42 = arith.constant 0 : i32
        %dma_start3A_43 = tpu.memref_slice %arg5[%dma_start3A_41, %dma_start3A_42] : memref<10016x128xf32, #tpu.memory_space<hbm>> -> memref<16x128xf32, #tpu.memory_space<hbm>>
        tpu.enqueue_dma source(%dma_start3A_43 : memref<16x128xf32, #tpu.memory_space<hbm>>) target(%dma_start3A_40 : memref<16x128xf32, #tpu.memory_space<vmem_shared>>) target_semaphore(%run_scoped3A : memref<!tpu.dma_semaphore, #tpu.memory_space<semaphore_mem>>)
        %dma_wait3A_44 = arith.constant 9984 : i32
        %dma_wait3A_45 = arith.constant 0 : i32
        %dma_wait3A_46 = tpu.memref_slice %arg11[%dma_wait3A_44, %dma_wait3A_45] : memref<10016x128xf32, #tpu.memory_space<vmem_shared>> -> memref<16x128xf32, #tpu.memory_space<vmem_shared>>
        %dma_wait3A_47 = arith.constant 9984 : i32
        %dma_wait3A_48 = arith.constant 0 : i32
        %dma_wait3A_49 = tpu.memref_slice %arg5[%dma_wait3A_47, %dma_wait3A_48] : memref<10016x128xf32, #tpu.memory_space<hbm>> -> memref<16x128xf32, #tpu.memory_space<hbm>>
        tpu.wait_dma2 semaphore(%run_scoped3A : memref<!tpu.dma_semaphore, #tpu.memory_space<semaphore_mem>>) src(%dma_wait3A_49 : memref<16x128xf32, #tpu.memory_space<hbm>>) dst(%dma_wait3A_46 : memref<16x128xf32, #tpu.memory_space<vmem_shared>>)
        tpu.yield
      }) : () -> ()
    } else {
    }
    %barrier3A = arith.constant 0 : index
    tpu.barrier barrier_id(%barrier3A)
    %add3A = arith.constant 0 : i32
    %add3A_7 = arith.addi %mul3A_0, %add3A : i32
    "tpu.region"() ({
      %run_scoped3A = tpu.sem_alloc : memref<!tpu.dma_semaphore, #tpu.memory_space<semaphore_mem>>
      %dma_start3A_38 = arith.constant 0 : i32
      %dma_start3A_39 = tpu.memref_slice %arg3[%arg0, %add3A_7, %dma_start3A_38] : memref<2x640x128xi32, #tpu.memory_space<hbm>> -> memref<1x40x128xi32, #tpu.memory_space<hbm>>
      %dma_start3A_40 = tpu.memref_squeeze %dma_start3A_39 : memref<1x40x128xi32, #tpu.memory_space<hbm>> -> memref<40x128xi32, #tpu.memory_space<hbm>>
      %dma_start3A_41 = arith.constant 0 : i32
      %dma_start3A_42 = tpu.memref_slice %arg3[%arg0, %add3A_7, %dma_start3A_41] : memref<2x640x128xi32, #tpu.memory_space<hbm>> -> memref<1x40x128xi32, #tpu.memory_space<hbm>>
      %dma_start3A_43 = tpu.memref_squeeze %dma_start3A_42 : memref<1x40x128xi32, #tpu.memory_space<hbm>> -> memref<40x128xi32, #tpu.memory_space<hbm>>
      tpu.enqueue_dma source(%dma_start3A_43 : memref<40x128xi32, #tpu.memory_space<hbm>>) target(%arg7 : memref<40x128xi32, #tpu.memory_space<vmem>>) target_semaphore(%run_scoped3A : memref<!tpu.dma_semaphore, #tpu.memory_space<semaphore_mem>>)
      %dma_wait3A_44 = arith.constant 0 : i32
      %dma_wait3A_45 = tpu.memref_slice %arg3[%arg0, %add3A_7, %dma_wait3A_44] : memref<2x640x128xi32, #tpu.memory_space<hbm>> -> memref<1x40x128xi32, #tpu.memory_space<hbm>>
      %dma_wait3A_46 = tpu.memref_squeeze %dma_wait3A_45 : memref<1x40x128xi32, #tpu.memory_space<hbm>> -> memref<40x128xi32, #tpu.memory_space<hbm>>
      %dma_wait3A_47 = arith.constant 0 : i32
      %dma_wait3A_48 = tpu.memref_slice %arg3[%arg0, %add3A_7, %dma_wait3A_47] : memref<2x640x128xi32, #tpu.memory_space<hbm>> -> memref<1x40x128xi32, #tpu.memory_space<hbm>>
      %dma_wait3A_49 = tpu.memref_squeeze %dma_wait3A_48 : memref<1x40x128xi32, #tpu.memory_space<hbm>> -> memref<40x128xi32, #tpu.memory_space<hbm>>
      tpu.wait_dma2 semaphore(%run_scoped3A : memref<!tpu.dma_semaphore, #tpu.memory_space<semaphore_mem>>) src(%dma_wait3A_49 : memref<40x128xi32, #tpu.memory_space<hbm>>) dst(%arg7 : memref<40x128xi32, #tpu.memory_space<vmem>>)
      tpu.yield
    }) : () -> ()
    %add3A_8 = arith.constant 0 : i32
    %add3A_9 = arith.addi %mul3A_0, %add3A_8 : i32
    "tpu.region"() ({
      %run_scoped3A = tpu.sem_alloc : memref<!tpu.dma_semaphore, #tpu.memory_space<semaphore_mem>>
      %dma_start3A_38 = arith.constant 0 : i32
      %dma_start3A_39 = tpu.memref_slice %arg4[%arg0, %add3A_9, %dma_start3A_38] : memref<2x640x128xi32, #tpu.memory_space<hbm>> -> memref<1x40x128xi32, #tpu.memory_space<hbm>>
      %dma_start3A_40 = tpu.memref_squeeze %dma_start3A_39 : memref<1x40x128xi32, #tpu.memory_space<hbm>> -> memref<40x128xi32, #tpu.memory_space<hbm>>
      %dma_start3A_41 = arith.constant 0 : i32
      %dma_start3A_42 = tpu.memref_slice %arg4[%arg0, %add3A_9, %dma_start3A_41] : memref<2x640x128xi32, #tpu.memory_space<hbm>> -> memref<1x40x128xi32, #tpu.memory_space<hbm>>
      %dma_start3A_43 = tpu.memref_squeeze %dma_start3A_42 : memref<1x40x128xi32, #tpu.memory_space<hbm>> -> memref<40x128xi32, #tpu.memory_space<hbm>>
      tpu.enqueue_dma source(%dma_start3A_43 : memref<40x128xi32, #tpu.memory_space<hbm>>) target(%arg8 : memref<40x128xi32, #tpu.memory_space<vmem>>) target_semaphore(%run_scoped3A : memref<!tpu.dma_semaphore, #tpu.memory_space<semaphore_mem>>)
      %dma_wait3A_44 = arith.constant 0 : i32
      %dma_wait3A_45 = tpu.memref_slice %arg4[%arg0, %add3A_9, %dma_wait3A_44] : memref<2x640x128xi32, #tpu.memory_space<hbm>> -> memref<1x40x128xi32, #tpu.memory_space<hbm>>
      %dma_wait3A_46 = tpu.memref_squeeze %dma_wait3A_45 : memref<1x40x128xi32, #tpu.memory_space<hbm>> -> memref<40x128xi32, #tpu.memory_space<hbm>>
      %dma_wait3A_47 = arith.constant 0 : i32
      %dma_wait3A_48 = tpu.memref_slice %arg4[%arg0, %add3A_9, %dma_wait3A_47] : memref<2x640x128xi32, #tpu.memory_space<hbm>> -> memref<1x40x128xi32, #tpu.memory_space<hbm>>
      %dma_wait3A_49 = tpu.memref_squeeze %dma_wait3A_48 : memref<1x40x128xi32, #tpu.memory_space<hbm>> -> memref<40x128xi32, #tpu.memory_space<hbm>>
      tpu.wait_dma2 semaphore(%run_scoped3A : memref<!tpu.dma_semaphore, #tpu.memory_space<semaphore_mem>>) src(%dma_wait3A_49 : memref<40x128xi32, #tpu.memory_space<hbm>>) dst(%arg8 : memref<40x128xi32, #tpu.memory_space<vmem>>)
      tpu.yield
    }) : () -> ()
    %dma_start3A = arith.constant 0 : i32
    %dma_start3A_10 = arith.constant 0 : i32
    %dma_start3A_11 = tpu.memref_slice %arg7[%dma_start3A, %dma_start3A_10] : memref<40x128xi32, #tpu.memory_space<vmem>> -> memref<1x128xi32, #tpu.memory_space<vmem>>
    %dma_start3A_12 = tpu.memref_squeeze %dma_start3A_11 : memref<1x128xi32, #tpu.memory_space<vmem>> -> memref<128xi32, #tpu.memory_space<vmem>>
    %dma_start3A_13 = arith.constant 0 : i32
    %dma_start3A_14 = arith.constant 0 : i32
    %dma_start3A_15 = tpu.memref_slice %arg2[%dma_start3A_13, %dma_start3A_14] : memref<20000x128xf32, #tpu.memory_space<hbm>> -> memref<20000x128xf32, #tpu.memory_space<hbm>>
    tpu.enqueue_indirect_dma source(%dma_start3A_15 : memref<20000x128xf32, #tpu.memory_space<hbm>>) target(%arg9 : memref<128x128xf32, #tpu.memory_space<vmem>>) offsets(%dma_start3A_12 : memref<128xi32, #tpu.memory_space<vmem>>) semaphore(%arg12 : memref<!tpu.dma_semaphore, #tpu.memory_space<semaphore_mem>>)
    %scan3A = arith.constant 0 : i32
    %scan3A_16 = arith.constant 0 : i32
    %scan3A_17 = arith.constant 40 : i32
    %scan3A_18 = arith.addi %scan3A_16, %scan3A_17 : i32
    %scan3A_19 = arith.constant 1 : i32
    %scan3A_20 = scf.for %scan3A_38 = %scan3A_16 to %scan3A_18 step %scan3A_19 iter_args(%scan3A_39 = %scan3A) -> (i32)  : i32 {
      %rem3A = arith.constant 2 : i32
      %rem3A_40 = arith.remsi %scan3A_38, %rem3A : i32
      %eq3A_41 = arith.constant 0 : i32
      %eq3A_42 = arith.cmpi eq, %rem3A_40, %eq3A_41 : i32
      %convert_element_type3A_43 = arith.extui %eq3A_42 : i1 to i32
      %cond3A_44 = arith.constant 0 : i32
      %cond3A_45 = arith.cmpi ne, %convert_element_type3A_43, %cond3A_44 : i32
      scf.if %cond3A_45 {
        %ge3A = arith.constant 1 : i32
        %ge3A_54 = arith.cmpi sge, %scan3A_38, %ge3A : i32
        %convert_element_type3A_55 = arith.extui %ge3A_54 : i1 to i32
        %cond3A_56 = arith.constant 0 : i32
        %cond3A_57 = arith.cmpi ne, %convert_element_type3A_55, %cond3A_56 : i32
        scf.if %cond3A_57 {
          %dma_wait3A_74 = arith.constant 0 : i32
          %dma_wait3A_75 = arith.constant 0 : i32
          %dma_wait3A_76 = tpu.memref_slice %arg8[%dma_wait3A_74, %dma_wait3A_75] : memref<40x128xi32, #tpu.memory_space<vmem>> -> memref<1x128xi32, #tpu.memory_space<vmem>>
          %dma_wait3A_77 = tpu.memref_squeeze %dma_wait3A_76 : memref<1x128xi32, #tpu.memory_space<vmem>> -> memref<128xi32, #tpu.memory_space<vmem>>
          %dma_wait3A_78 = arith.constant 0 : i32
          %dma_wait3A_79 = arith.constant 0 : i32
          %dma_wait3A_80 = tpu.memref_slice %arg11[%dma_wait3A_78, %dma_wait3A_79] : memref<10016x128xf32, #tpu.memory_space<vmem_shared>> -> memref<10016x128xf32, #tpu.memory_space<vmem_shared>>
          tpu.wait_indirect_dma semaphore(%arg15 : memref<!tpu.dma_semaphore, #tpu.memory_space<semaphore_mem>>) src(%arg10 : memref<128x128xf32, #tpu.memory_space<vmem>>) dst(%dma_wait3A_80 : memref<10016x128xf32, #tpu.memory_space<vmem_shared>>)
        } else {
        }
        %lt3A = arith.constant 39 : i32
        %lt3A_58 = arith.cmpi slt, %scan3A_38, %lt3A : i32
        %convert_element_type3A_59 = arith.extui %lt3A_58 : i1 to i32
        %cond3A_60 = arith.constant 0 : i32
        %cond3A_61 = arith.cmpi ne, %convert_element_type3A_59, %cond3A_60 : i32
        scf.if %cond3A_61 {
          %add3A_74 = arith.constant 1 : i32
          %add3A_75 = arith.addi %scan3A_38, %add3A_74 : i32
          %dma_start3A_76 = arith.constant 0 : i32
          %dma_start3A_77 = tpu.memref_slice %arg7[%add3A_75, %dma_start3A_76] : memref<40x128xi32, #tpu.memory_space<vmem>> -> memref<1x128xi32, #tpu.memory_space<vmem>>
          %dma_start3A_78 = tpu.memref_squeeze %dma_start3A_77 : memref<1x128xi32, #tpu.memory_space<vmem>> -> memref<128xi32, #tpu.memory_space<vmem>>
          %dma_start3A_79 = arith.constant 0 : i32
          %dma_start3A_80 = arith.constant 0 : i32
          %dma_start3A_81 = tpu.memref_slice %arg2[%dma_start3A_79, %dma_start3A_80] : memref<20000x128xf32, #tpu.memory_space<hbm>> -> memref<20000x128xf32, #tpu.memory_space<hbm>>
          tpu.enqueue_indirect_dma source(%dma_start3A_81 : memref<20000x128xf32, #tpu.memory_space<hbm>>) target(%arg10 : memref<128x128xf32, #tpu.memory_space<vmem>>) offsets(%dma_start3A_78 : memref<128xi32, #tpu.memory_space<vmem>>) semaphore(%arg13 : memref<!tpu.dma_semaphore, #tpu.memory_space<semaphore_mem>>)
        } else {
        }
        %dma_wait3A_62 = arith.constant 0 : i32
        %dma_wait3A_63 = tpu.memref_slice %arg7[%scan3A_38, %dma_wait3A_62] : memref<40x128xi32, #tpu.memory_space<vmem>> -> memref<1x128xi32, #tpu.memory_space<vmem>>
        %dma_wait3A_64 = tpu.memref_squeeze %dma_wait3A_63 : memref<1x128xi32, #tpu.memory_space<vmem>> -> memref<128xi32, #tpu.memory_space<vmem>>
        %dma_wait3A_65 = arith.constant 0 : i32
        %dma_wait3A_66 = arith.constant 0 : i32
        %dma_wait3A_67 = tpu.memref_slice %arg2[%dma_wait3A_65, %dma_wait3A_66] : memref<20000x128xf32, #tpu.memory_space<hbm>> -> memref<20000x128xf32, #tpu.memory_space<hbm>>
        tpu.wait_indirect_dma semaphore(%arg12 : memref<!tpu.dma_semaphore, #tpu.memory_space<semaphore_mem>>) src(%dma_wait3A_67 : memref<20000x128xf32, #tpu.memory_space<hbm>>) dst(%arg9 : memref<128x128xf32, #tpu.memory_space<vmem>>)
        %dma_start3A_68 = arith.constant 0 : i32
        %dma_start3A_69 = tpu.memref_slice %arg8[%scan3A_38, %dma_start3A_68] : memref<40x128xi32, #tpu.memory_space<vmem>> -> memref<1x128xi32, #tpu.memory_space<vmem>>
        %dma_start3A_70 = tpu.memref_squeeze %dma_start3A_69 : memref<1x128xi32, #tpu.memory_space<vmem>> -> memref<128xi32, #tpu.memory_space<vmem>>
        %dma_start3A_71 = arith.constant 0 : i32
        %dma_start3A_72 = arith.constant 0 : i32
        %dma_start3A_73 = tpu.memref_slice %arg11[%dma_start3A_71, %dma_start3A_72] : memref<10016x128xf32, #tpu.memory_space<vmem_shared>> -> memref<10016x128xf32, #tpu.memory_space<vmem_shared>>
        tpu.enqueue_indirect_dma source(%arg9 : memref<128x128xf32, #tpu.memory_space<vmem>>) target(%dma_start3A_73 : memref<10016x128xf32, #tpu.memory_space<vmem_shared>>) offsets(%dma_start3A_70 : memref<128xi32, #tpu.memory_space<vmem>>) semaphore(%arg14 : memref<!tpu.dma_semaphore, #tpu.memory_space<semaphore_mem>>) {add = true}
      } else {
      }
      %rem3A_46 = arith.constant 2 : i32
      %rem3A_47 = arith.remsi %scan3A_38, %rem3A_46 : i32
      %eq3A_48 = arith.constant 1 : i32
      %eq3A_49 = arith.cmpi eq, %rem3A_47, %eq3A_48 : i32
      %convert_element_type3A_50 = arith.extui %eq3A_49 : i1 to i32
      %cond3A_51 = arith.constant 0 : i32
      %cond3A_52 = arith.cmpi ne, %convert_element_type3A_50, %cond3A_51 : i32
      scf.if %cond3A_52 {
        %ge3A = arith.constant 1 : i32
        %ge3A_54 = arith.cmpi sge, %scan3A_38, %ge3A : i32
        %convert_element_type3A_55 = arith.extui %ge3A_54 : i1 to i32
        %cond3A_56 = arith.constant 0 : i32
        %cond3A_57 = arith.cmpi ne, %convert_element_type3A_55, %cond3A_56 : i32
        scf.if %cond3A_57 {
          %dma_wait3A_74 = arith.constant 0 : i32
          %dma_wait3A_75 = arith.constant 0 : i32
          %dma_wait3A_76 = tpu.memref_slice %arg8[%dma_wait3A_74, %dma_wait3A_75] : memref<40x128xi32, #tpu.memory_space<vmem>> -> memref<1x128xi32, #tpu.memory_space<vmem>>
          %dma_wait3A_77 = tpu.memref_squeeze %dma_wait3A_76 : memref<1x128xi32, #tpu.memory_space<vmem>> -> memref<128xi32, #tpu.memory_space<vmem>>
          %dma_wait3A_78 = arith.constant 0 : i32
          %dma_wait3A_79 = arith.constant 0 : i32
          %dma_wait3A_80 = tpu.memref_slice %arg11[%dma_wait3A_78, %dma_wait3A_79] : memref<10016x128xf32, #tpu.memory_space<vmem_shared>> -> memref<10016x128xf32, #tpu.memory_space<vmem_shared>>
          tpu.wait_indirect_dma semaphore(%arg14 : memref<!tpu.dma_semaphore, #tpu.memory_space<semaphore_mem>>) src(%arg9 : memref<128x128xf32, #tpu.memory_space<vmem>>) dst(%dma_wait3A_80 : memref<10016x128xf32, #tpu.memory_space<vmem_shared>>)
        } else {
        }
        %lt3A = arith.constant 39 : i32
        %lt3A_58 = arith.cmpi slt, %scan3A_38, %lt3A : i32
        %convert_element_type3A_59 = arith.extui %lt3A_58 : i1 to i32
        %cond3A_60 = arith.constant 0 : i32
        %cond3A_61 = arith.cmpi ne, %convert_element_type3A_59, %cond3A_60 : i32
        scf.if %cond3A_61 {
          %add3A_74 = arith.constant 1 : i32
          %add3A_75 = arith.addi %scan3A_38, %add3A_74 : i32
          %dma_start3A_76 = arith.constant 0 : i32
          %dma_start3A_77 = tpu.memref_slice %arg7[%add3A_75, %dma_start3A_76] : memref<40x128xi32, #tpu.memory_space<vmem>> -> memref<1x128xi32, #tpu.memory_space<vmem>>
          %dma_start3A_78 = tpu.memref_squeeze %dma_start3A_77 : memref<1x128xi32, #tpu.memory_space<vmem>> -> memref<128xi32, #tpu.memory_space<vmem>>
          %dma_start3A_79 = arith.constant 0 : i32
          %dma_start3A_80 = arith.constant 0 : i32
          %dma_start3A_81 = tpu.memref_slice %arg2[%dma_start3A_79, %dma_start3A_80] : memref<20000x128xf32, #tpu.memory_space<hbm>> -> memref<20000x128xf32, #tpu.memory_space<hbm>>
          tpu.enqueue_indirect_dma source(%dma_start3A_81 : memref<20000x128xf32, #tpu.memory_space<hbm>>) target(%arg9 : memref<128x128xf32, #tpu.memory_space<vmem>>) offsets(%dma_start3A_78 : memref<128xi32, #tpu.memory_space<vmem>>) semaphore(%arg12 : memref<!tpu.dma_semaphore, #tpu.memory_space<semaphore_mem>>)
        } else {
        }
        %dma_wait3A_62 = arith.constant 0 : i32
        %dma_wait3A_63 = tpu.memref_slice %arg7[%scan3A_38, %dma_wait3A_62] : memref<40x128xi32, #tpu.memory_space<vmem>> -> memref<1x128xi32, #tpu.memory_space<vmem>>
        %dma_wait3A_64 = tpu.memref_squeeze %dma_wait3A_63 : memref<1x128xi32, #tpu.memory_space<vmem>> -> memref<128xi32, #tpu.memory_space<vmem>>
        %dma_wait3A_65 = arith.constant 0 : i32
        %dma_wait3A_66 = arith.constant 0 : i32
        %dma_wait3A_67 = tpu.memref_slice %arg2[%dma_wait3A_65, %dma_wait3A_66] : memref<20000x128xf32, #tpu.memory_space<hbm>> -> memref<20000x128xf32, #tpu.memory_space<hbm>>
        tpu.wait_indirect_dma semaphore(%arg13 : memref<!tpu.dma_semaphore, #tpu.memory_space<semaphore_mem>>) src(%dma_wait3A_67 : memref<20000x128xf32, #tpu.memory_space<hbm>>) dst(%arg10 : memref<128x128xf32, #tpu.memory_space<vmem>>)
        %dma_start3A_68 = arith.constant 0 : i32
        %dma_start3A_69 = tpu.memref_slice %arg8[%scan3A_38, %dma_start3A_68] : memref<40x128xi32, #tpu.memory_space<vmem>> -> memref<1x128xi32, #tpu.memory_space<vmem>>
        %dma_start3A_70 = tpu.memref_squeeze %dma_start3A_69 : memref<1x128xi32, #tpu.memory_space<vmem>> -> memref<128xi32, #tpu.memory_space<vmem>>
        %dma_start3A_71 = arith.constant 0 : i32
        %dma_start3A_72 = arith.constant 0 : i32
        %dma_start3A_73 = tpu.memref_slice %arg11[%dma_start3A_71, %dma_start3A_72] : memref<10016x128xf32, #tpu.memory_space<vmem_shared>> -> memref<10016x128xf32, #tpu.memory_space<vmem_shared>>
        tpu.enqueue_indirect_dma source(%arg10 : memref<128x128xf32, #tpu.memory_space<vmem>>) target(%dma_start3A_73 : memref<10016x128xf32, #tpu.memory_space<vmem_shared>>) offsets(%dma_start3A_70 : memref<128xi32, #tpu.memory_space<vmem>>) semaphore(%arg15 : memref<!tpu.dma_semaphore, #tpu.memory_space<semaphore_mem>>) {add = true}
      } else {
      }
      %scan3A_53 = arith.constant 0 : i32
      scf.yield %scan3A_53 : i32
    }
    %scan3A_21 = arith.constant 40 : i32
    %dma_wait3A = arith.constant 0 : i32
    %dma_wait3A_22 = arith.constant 0 : i32
    %dma_wait3A_23 = tpu.memref_slice %arg8[%dma_wait3A, %dma_wait3A_22] : memref<40x128xi32, #tpu.memory_space<vmem>> -> memref<1x128xi32, #tpu.memory_space<vmem>>
    %dma_wait3A_24 = tpu.memref_squeeze %dma_wait3A_23 : memref<1x128xi32, #tpu.memory_space<vmem>> -> memref<128xi32, #tpu.memory_space<vmem>>
    %dma_wait3A_25 = arith.constant 0 : i32
    %dma_wait3A_26 = arith.constant 0 : i32
    %dma_wait3A_27 = tpu.memref_slice %arg11[%dma_wait3A_25, %dma_wait3A_26] : memref<10016x128xf32, #tpu.memory_space<vmem_shared>> -> memref<10016x128xf32, #tpu.memory_space<vmem_shared>>
    tpu.wait_indirect_dma semaphore(%arg15 : memref<!tpu.dma_semaphore, #tpu.memory_space<semaphore_mem>>) src(%arg10 : memref<128x128xf32, #tpu.memory_space<vmem>>) dst(%dma_wait3A_27 : memref<10016x128xf32, #tpu.memory_space<vmem_shared>>)
    %barrier3A_28 = arith.constant 0 : index
    tpu.barrier barrier_id(%barrier3A_28)
    %mul3A_29 = arith.constant 624 : i32
    %mul3A_30 = arith.muli %arg1, %mul3A_29 : i32
    %mul3A_31 = arith.constant 624 : i32
    %mul3A_32 = arith.muli %arg1, %mul3A_31 : i32
    "tpu.region"() ({
      %run_scoped3A = tpu.sem_alloc : memref<!tpu.dma_semaphore, #tpu.memory_space<semaphore_mem>>
      %dma_start3A_38 = arith.constant 0 : i32
      %dma_start3A_39 = tpu.memref_slice %arg6[%arg0, %mul3A_32, %dma_start3A_38] : memref<2x10000x128xf32, #tpu.memory_space<hbm>> -> memref<1x624x128xf32, #tpu.memory_space<hbm>>
      %dma_start3A_40 = tpu.memref_squeeze %dma_start3A_39 : memref<1x624x128xf32, #tpu.memory_space<hbm>> -> memref<624x128xf32, #tpu.memory_space<hbm>>
      %dma_start3A_41 = arith.constant 0 : i32
      %dma_start3A_42 = tpu.memref_slice %arg11[%mul3A_30, %dma_start3A_41] : memref<10016x128xf32, #tpu.memory_space<vmem_shared>> -> memref<624x128xf32, #tpu.memory_space<vmem_shared>>
      tpu.enqueue_dma source(%dma_start3A_42 : memref<624x128xf32, #tpu.memory_space<vmem_shared>>) target(%dma_start3A_40 : memref<624x128xf32, #tpu.memory_space<hbm>>) target_semaphore(%run_scoped3A : memref<!tpu.dma_semaphore, #tpu.memory_space<semaphore_mem>>)
      %dma_wait3A_43 = arith.constant 0 : i32
      %dma_wait3A_44 = tpu.memref_slice %arg6[%arg0, %mul3A_32, %dma_wait3A_43] : memref<2x10000x128xf32, #tpu.memory_space<hbm>> -> memref<1x624x128xf32, #tpu.memory_space<hbm>>
      %dma_wait3A_45 = tpu.memref_squeeze %dma_wait3A_44 : memref<1x624x128xf32, #tpu.memory_space<hbm>> -> memref<624x128xf32, #tpu.memory_space<hbm>>
      %dma_wait3A_46 = arith.constant 0 : i32
      %dma_wait3A_47 = tpu.memref_slice %arg11[%mul3A_30, %dma_wait3A_46] : memref<10016x128xf32, #tpu.memory_space<vmem_shared>> -> memref<624x128xf32, #tpu.memory_space<vmem_shared>>
      tpu.wait_dma2 semaphore(%run_scoped3A : memref<!tpu.dma_semaphore, #tpu.memory_space<semaphore_mem>>) src(%dma_wait3A_47 : memref<624x128xf32, #tpu.memory_space<vmem_shared>>) dst(%dma_wait3A_45 : memref<624x128xf32, #tpu.memory_space<hbm>>)
      tpu.yield
    }) : () -> ()
    %eq3A_33 = arith.constant 15 : i32
    %eq3A_34 = arith.cmpi eq, %arg1, %eq3A_33 : i32
    %convert_element_type3A_35 = arith.extui %eq3A_34 : i1 to i32
    %cond3A_36 = arith.constant 0 : i32
    %cond3A_37 = arith.cmpi ne, %convert_element_type3A_35, %cond3A_36 : i32
    scf.if %cond3A_37 {
      "tpu.region"() ({
        %run_scoped3A = tpu.sem_alloc : memref<!tpu.dma_semaphore, #tpu.memory_space<semaphore_mem>>
        %dma_start3A_38 = arith.constant 9984 : i32
        %dma_start3A_39 = arith.constant 0 : i32
        %dma_start3A_40 = tpu.memref_slice %arg6[%arg0, %dma_start3A_38, %dma_start3A_39] : memref<2x10000x128xf32, #tpu.memory_space<hbm>> -> memref<1x16x128xf32, #tpu.memory_space<hbm>>
        %dma_start3A_41 = tpu.memref_squeeze %dma_start3A_40 : memref<1x16x128xf32, #tpu.memory_space<hbm>> -> memref<16x128xf32, #tpu.memory_space<hbm>>
        %dma_start3A_42 = arith.constant 9984 : i32
        %dma_start3A_43 = arith.constant 0 : i32
        %dma_start3A_44 = tpu.memref_slice %arg11[%dma_start3A_42, %dma_start3A_43] : memref<10016x128xf32, #tpu.memory_space<vmem_shared>> -> memref<16x128xf32, #tpu.memory_space<vmem_shared>>
        tpu.enqueue_dma source(%dma_start3A_44 : memref<16x128xf32, #tpu.memory_space<vmem_shared>>) target(%dma_start3A_41 : memref<16x128xf32, #tpu.memory_space<hbm>>) target_semaphore(%run_scoped3A : memref<!tpu.dma_semaphore, #tpu.memory_space<semaphore_mem>>)
        %dma_wait3A_45 = arith.constant 9984 : i32
        %dma_wait3A_46 = arith.constant 0 : i32
        %dma_wait3A_47 = tpu.memref_slice %arg6[%arg0, %dma_wait3A_45, %dma_wait3A_46] : memref<2x10000x128xf32, #tpu.memory_space<hbm>> -> memref<1x16x128xf32, #tpu.memory_space<hbm>>
        %dma_wait3A_48 = tpu.memref_squeeze %dma_wait3A_47 : memref<1x16x128xf32, #tpu.memory_space<hbm>> -> memref<16x128xf32, #tpu.memory_space<hbm>>
        %dma_wait3A_49 = arith.constant 9984 : i32
        %dma_wait3A_50 = arith.constant 0 : i32
        %dma_wait3A_51 = tpu.memref_slice %arg11[%dma_wait3A_49, %dma_wait3A_50] : memref<10016x128xf32, #tpu.memory_space<vmem_shared>> -> memref<16x128xf32, #tpu.memory_space<vmem_shared>>
        tpu.wait_dma2 semaphore(%run_scoped3A : memref<!tpu.dma_semaphore, #tpu.memory_space<semaphore_mem>>) src(%dma_wait3A_51 : memref<16x128xf32, #tpu.memory_space<vmem_shared>>) dst(%dma_wait3A_48 : memref<16x128xf32, #tpu.memory_space<hbm>>)
        tpu.yield
      }) : () -> ()
    } else {
    }
    return
  }
}

module attributes {stable_mosaic.version = 14 : i64} {
  func.func @_dense1_body(%arg0: i32, %arg1: memref<1000x256xf32, #tpu.memory_space<vmem>>, %arg2: memref<256x256xf32, #tpu.memory_space<vmem>>, %arg3: memref<256x256xf32, #tpu.memory_space<vmem>>, %arg4: memref<256x256xf32, #tpu.memory_space<vmem>>, %arg5: memref<1x256xf32, #tpu.memory_space<vmem>>, %arg6: memref<2x1000x128xf32, #tpu.memory_space<vmem>>, %arg7: memref<1000x256xf32, #tpu.memory_space<vmem>>, %arg8: memref<1000x256xf32, #tpu.memory_space<vmem>>) attributes {dimension_semantics = [#tpu.dimension_semantics<arbitrary>], iteration_bounds = array<i64: 10>, scalar_prefetch = 0 : i64, scratch_operands = 0 : i64, tpu.core_type = #tpu.core_type<tc>, window_params = [{transform_indices = @transform_0, window_bounds = array<i64: 1000, 256>}, {pipeline_mode = #tpu.pipeline_mode<synchronous>, transform_indices = @transform_1, window_bounds = array<i64: 256, 256>}, {pipeline_mode = #tpu.pipeline_mode<synchronous>, transform_indices = @transform_2, window_bounds = array<i64: 256, 256>}, {pipeline_mode = #tpu.pipeline_mode<synchronous>, transform_indices = @transform_3, window_bounds = array<i64: 256, 256>}, {pipeline_mode = #tpu.pipeline_mode<synchronous>, transform_indices = @transform_4, window_bounds = array<i64: 1, 256>}, {transform_indices = @transform_5, window_bounds = array<i64: 2, 1000, 128>}, {transform_indices = @transform_6, window_bounds = array<i64: 1000, 256>}, {transform_indices = @transform_7, window_bounds = array<i64: 1000, 256>}]} {
    %get3A = arith.constant 0 : index
    %get3A_0 = arith.constant 0 : index
    %get3A_1 = vector.load %arg1[%get3A, %get3A_0] : memref<1000x256xf32, #tpu.memory_space<vmem>>, vector<1000x256xf32>
    %get3A_2 = arith.constant 0 : index
    %get3A_3 = arith.constant 0 : index
    %get3A_4 = vector.load %arg2[%get3A_2, %get3A_3] : memref<256x256xf32, #tpu.memory_space<vmem>>, vector<256x256xf32>
    %dot_general3A = arith.constant dense<0.000000e+00> : vector<1000x256xf32>
    %dot_general3A_5 = tpu.matmul %get3A_1, %get3A_4, %dot_general3A {dimension_numbers = #tpu.dot_dimension_numbers<[1], [0], [0], [1], [0, 0, 1, 1], [], []>, transpose_lhs_hint = false} : vector<1000x256xf32>, vector<256x256xf32>, vector<1000x256xf32> -> vector<1000x256xf32>
    %slice3A = vector.extract_strided_slice %dot_general3A_5 {offsets = [0, 0], sizes = [1000, 128], strides = [1, 1]} : vector<1000x256xf32> to vector<1000x128xf32>
    %swap3A = arith.constant 0 : index
    %swap3A_6 = arith.constant 0 : index
    %swap3A_7 = arith.constant 0 : index
    %swap3A_8 = vector.load %arg6[%swap3A, %swap3A_6, %swap3A_7] : memref<2x1000x128xf32, #tpu.memory_space<vmem>>, vector<1x1000x128xf32>
    %swap3A_9 = vector.shape_cast %swap3A_8 : vector<1x1000x128xf32> to vector<1000x128xf32>
    %swap3A_10 = vector.shape_cast %slice3A : vector<1000x128xf32> to vector<1x1000x128xf32>
    tpu.vector_store %arg6[%swap3A, %swap3A_6, %swap3A_7], %swap3A_10 {strides = array<i32>} : memref<2x1000x128xf32, #tpu.memory_space<vmem>>, vector<1x1000x128xf32>,
    %slice3A_11 = vector.extract_strided_slice %dot_general3A_5 {offsets = [0, 128], sizes = [1000, 128], strides = [1, 1]} : vector<1000x256xf32> to vector<1000x128xf32>
    %swap3A_12 = arith.constant 1 : index
    %swap3A_13 = arith.constant 0 : index
    %swap3A_14 = arith.constant 0 : index
    %swap3A_15 = vector.load %arg6[%swap3A_12, %swap3A_13, %swap3A_14] : memref<2x1000x128xf32, #tpu.memory_space<vmem>>, vector<1x1000x128xf32>
    %swap3A_16 = vector.shape_cast %swap3A_15 : vector<1x1000x128xf32> to vector<1000x128xf32>
    %swap3A_17 = vector.shape_cast %slice3A_11 : vector<1000x128xf32> to vector<1x1000x128xf32>
    tpu.vector_store %arg6[%swap3A_12, %swap3A_13, %swap3A_14], %swap3A_17 {strides = array<i32>} : memref<2x1000x128xf32, #tpu.memory_space<vmem>>, vector<1x1000x128xf32>,
    %get3A_18 = arith.constant 0 : index
    %get3A_19 = arith.constant 0 : index
    %get3A_20 = vector.load %arg3[%get3A_18, %get3A_19] : memref<256x256xf32, #tpu.memory_space<vmem>>, vector<256x256xf32>
    %dot_general3A_21 = arith.constant dense<0.000000e+00> : vector<1000x256xf32>
    %dot_general3A_22 = tpu.matmul %get3A_1, %get3A_20, %dot_general3A_21 {dimension_numbers = #tpu.dot_dimension_numbers<[1], [0], [0], [1], [0, 0, 1, 1], [], []>, transpose_lhs_hint = false} : vector<1000x256xf32>, vector<256x256xf32>, vector<1000x256xf32> -> vector<1000x256xf32>
    %swap3A_23 = arith.constant 0 : index
    %swap3A_24 = arith.constant 0 : index
    %swap3A_25 = vector.load %arg7[%swap3A_23, %swap3A_24] : memref<1000x256xf32, #tpu.memory_space<vmem>>, vector<1000x256xf32>
    tpu.vector_store %arg7[%swap3A_23, %swap3A_24], %dot_general3A_22 {strides = array<i32>} : memref<1000x256xf32, #tpu.memory_space<vmem>>, vector<1000x256xf32>,
    %get3A_26 = arith.constant 0 : index
    %get3A_27 = arith.constant 0 : index
    %get3A_28 = vector.load %arg4[%get3A_26, %get3A_27] : memref<256x256xf32, #tpu.memory_space<vmem>>, vector<256x256xf32>
    %dot_general3A_29 = arith.constant dense<0.000000e+00> : vector<1000x256xf32>
    %dot_general3A_30 = tpu.matmul %get3A_1, %get3A_28, %dot_general3A_29 {dimension_numbers = #tpu.dot_dimension_numbers<[1], [0], [0], [1], [0, 0, 1, 1], [], []>, transpose_lhs_hint = false} : vector<1000x256xf32>, vector<256x256xf32>, vector<1000x256xf32> -> vector<1000x256xf32>
    %get3A_31 = arith.constant 0 : index
    %get3A_32 = arith.constant 0 : index
    %get3A_33 = vector.load %arg5[%get3A_31, %get3A_32] : memref<1x256xf32, #tpu.memory_space<vmem>>, vector<1x256xf32>
    %add3A = vector.broadcast %get3A_33 : vector<1x256xf32> to vector<1000x256xf32>
    %add3A_34 = arith.addf %dot_general3A_30, %add3A : vector<1000x256xf32>
    %swap3A_35 = arith.constant 0 : index
    %swap3A_36 = arith.constant 0 : index
    %swap3A_37 = vector.load %arg8[%swap3A_35, %swap3A_36] : memref<1000x256xf32, #tpu.memory_space<vmem>>, vector<1000x256xf32>
    tpu.vector_store %arg8[%swap3A_35, %swap3A_36], %add3A_34 {strides = array<i32>} : memref<1000x256xf32, #tpu.memory_space<vmem>>, vector<1000x256xf32>,
    return
  }
  func.func @transform_0(%arg0: i32) -> (i32, i32) {
    %c0_i32 = arith.constant 0 : i32
    %c0_i32_0 = arith.constant 0 : i32
    return %arg0, %c0_i32 : i32, i32
  }
  func.func @transform_1(%arg0: i32) -> (i32, i32) {
    %c0_i32 = arith.constant 0 : i32
    %c0_i32_0 = arith.constant 0 : i32
    %c0_i32_1 = arith.constant 0 : i32
    return %c0_i32, %c0_i32_0 : i32, i32
  }
  func.func @transform_2(%arg0: i32) -> (i32, i32) {
    %c0_i32 = arith.constant 0 : i32
    %c0_i32_0 = arith.constant 0 : i32
    %c0_i32_1 = arith.constant 0 : i32
    return %c0_i32, %c0_i32_0 : i32, i32
  }
  func.func @transform_3(%arg0: i32) -> (i32, i32) {
    %c0_i32 = arith.constant 0 : i32
    %c0_i32_0 = arith.constant 0 : i32
    %c0_i32_1 = arith.constant 0 : i32
    return %c0_i32, %c0_i32_0 : i32, i32
  }
  func.func @transform_4(%arg0: i32) -> (i32, i32) {
    %c0_i32 = arith.constant 0 : i32
    %c0_i32_0 = arith.constant 0 : i32
    %c0_i32_1 = arith.constant 0 : i32
    return %c0_i32, %c0_i32_0 : i32, i32
  }
  func.func @transform_5(%arg0: i32) -> (i32, i32, i32) {
    %c0_i32 = arith.constant 0 : i32
    %c0_i32_0 = arith.constant 0 : i32
    %c0_i32_1 = arith.constant 0 : i32
    return %c0_i32, %arg0, %c0_i32_0 : i32, i32, i32
  }
  func.func @transform_6(%arg0: i32) -> (i32, i32) {
    %c0_i32 = arith.constant 0 : i32
    %c0_i32_0 = arith.constant 0 : i32
    return %arg0, %c0_i32 : i32, i32
  }
  func.func @transform_7(%arg0: i32) -> (i32, i32) {
    %c0_i32 = arith.constant 0 : i32
    %c0_i32_0 = arith.constant 0 : i32
    return %arg0, %c0_i32 : i32, i32
  }
}

module attributes {stable_mosaic.version = 14 : i64} {
  func.func @_dense2_body(%arg0: i32, %arg1: memref<2x1000x128xf32, #tpu.memory_space<vmem>>, %arg2: memref<1000x1xf32, #tpu.memory_space<vmem>>, %arg3: memref<1000x256xf32, #tpu.memory_space<vmem>>, %arg4: memref<1000x256xf32, #tpu.memory_space<vmem>>, %arg5: memref<1x256xf32, #tpu.memory_space<vmem>>, %arg6: memref<1x256xf32, #tpu.memory_space<vmem>>, %arg7: memref<1x256xf32, #tpu.memory_space<vmem>>, %arg8: memref<1x256xf32, #tpu.memory_space<vmem>>, %arg9: memref<1x256xf32, #tpu.memory_space<vmem>>, %arg10: memref<256x128xf32, #tpu.memory_space<vmem>>, %arg11: memref<256x128xf32, #tpu.memory_space<vmem>>, %arg12: memref<2x1000x128xf32, #tpu.memory_space<vmem>>, %arg13: memref<1000x128xf32, #tpu.memory_space<vmem>>) attributes {dimension_semantics = [#tpu.dimension_semantics<arbitrary>], iteration_bounds = array<i64: 10>, scalar_prefetch = 0 : i64, scratch_operands = 0 : i64, tpu.core_type = #tpu.core_type<tc>, window_params = [{transform_indices = @transform_0, window_bounds = array<i64: 2, 1000, 128>}, {transform_indices = @transform_1, window_bounds = array<i64: 1000, 1>}, {transform_indices = @transform_2, window_bounds = array<i64: 1000, 256>}, {transform_indices = @transform_3, window_bounds = array<i64: 1000, 256>}, {pipeline_mode = #tpu.pipeline_mode<synchronous>, transform_indices = @transform_4, window_bounds = array<i64: 1, 256>}, {pipeline_mode = #tpu.pipeline_mode<synchronous>, transform_indices = @transform_5, window_bounds = array<i64: 1, 256>}, {pipeline_mode = #tpu.pipeline_mode<synchronous>, transform_indices = @transform_6, window_bounds = array<i64: 1, 256>}, {pipeline_mode = #tpu.pipeline_mode<synchronous>, transform_indices = @transform_7, window_bounds = array<i64: 1, 256>}, {pipeline_mode = #tpu.pipeline_mode<synchronous>, transform_indices = @transform_8, window_bounds = array<i64: 1, 256>}, {pipeline_mode = #tpu.pipeline_mode<synchronous>, transform_indices = @transform_9, window_bounds = array<i64: 256, 128>}, {pipeline_mode = #tpu.pipeline_mode<synchronous>, transform_indices = @transform_10, window_bounds = array<i64: 256, 128>}, {transform_indices = @transform_11, window_bounds = array<i64: 2, 1000, 128>}, {transform_indices = @transform_12, window_bounds = array<i64: 1000, 128>}]} {
    %get3A = arith.constant 0 : index
    %get3A_0 = arith.constant 0 : index
    %get3A_1 = vector.load %arg2[%get3A, %get3A_0] : memref<1000x1xf32, #tpu.memory_space<vmem>>, vector<1000x1xf32>
    %max3A = arith.constant 1.000000e+00 : f32
    %max3A_2 = vector.broadcast %max3A : f32 to vector<1000x1xf32>
    %max3A_3 = arith.maximumf %get3A_1, %max3A_2 : vector<1000x1xf32>
    %get3A_4 = arith.constant 0 : index
    %get3A_5 = arith.constant 0 : index
    %get3A_6 = arith.constant 0 : index
    %get3A_7 = vector.load %arg1[%get3A_4, %get3A_5, %get3A_6] : memref<2x1000x128xf32, #tpu.memory_space<vmem>>, vector<1x1000x128xf32>
    %get3A_8 = vector.shape_cast %get3A_7 : vector<1x1000x128xf32> to vector<1000x128xf32>
    %get3A_9 = arith.constant 1 : index
    %get3A_10 = arith.constant 0 : index
    %get3A_11 = arith.constant 0 : index
    %get3A_12 = vector.load %arg1[%get3A_9, %get3A_10, %get3A_11] : memref<2x1000x128xf32, #tpu.memory_space<vmem>>, vector<1x1000x128xf32>
    %get3A_13 = vector.shape_cast %get3A_12 : vector<1x1000x128xf32> to vector<1000x128xf32>
    %concatenate3A = tpu.concatenate %get3A_8, %get3A_13 in 1 : vector<1000x128xf32>, vector<1000x128xf32> -> vector<1000x256xf32>
    %div3A = vector.broadcast %max3A_3 : vector<1000x1xf32> to vector<1000x256xf32>
    %div3A_14 = arith.divf %concatenate3A, %div3A : vector<1000x256xf32>
    %get3A_15 = arith.constant 0 : index
    %get3A_16 = arith.constant 0 : index
    %get3A_17 = vector.load %arg5[%get3A_15, %get3A_16] : memref<1x256xf32, #tpu.memory_space<vmem>>, vector<1x256xf32>
    %add3A = vector.broadcast %get3A_17 : vector<1x256xf32> to vector<1000x256xf32>
    %add3A_18 = arith.addf %div3A_14, %add3A : vector<1000x256xf32>
    %get3A_19 = arith.constant 0 : index
    %get3A_20 = arith.constant 0 : index
    %get3A_21 = vector.load %arg3[%get3A_19, %get3A_20] : memref<1000x256xf32, #tpu.memory_space<vmem>>, vector<1000x256xf32>
    %add3A_22 = arith.addf %add3A_18, %get3A_21 : vector<1000x256xf32>
    %neg3A = arith.constant 0.000000e+00 : f32
    %neg3A_23 = vector.broadcast %neg3A : f32 to vector<1000x256xf32>
    %neg3A_24 = arith.subf %neg3A_23, %add3A_22 : vector<1000x256xf32>
    %exp3A = math.exp %neg3A_24 : vector<1000x256xf32>
    %add3A_25 = arith.constant 1.000000e+00 : f32
    %add3A_26 = vector.broadcast %add3A_25 : f32 to vector<1000x256xf32>
    %add3A_27 = arith.addf %add3A_26, %exp3A : vector<1000x256xf32>
    %div3A_28 = arith.constant 1.000000e+00 : f32
    %div3A_29 = vector.broadcast %div3A_28 : f32 to vector<1000x256xf32>
    %div3A_30 = arith.divf %div3A_29, %add3A_27 : vector<1000x256xf32>
    %mul3A = arith.mulf %add3A_22, %div3A_30 : vector<1000x256xf32>
    %get3A_31 = arith.constant 0 : index
    %get3A_32 = arith.constant 0 : index
    %get3A_33 = vector.load %arg6[%get3A_31, %get3A_32] : memref<1x256xf32, #tpu.memory_space<vmem>>, vector<1x256xf32>
    %get3A_34 = arith.constant 0 : index
    %get3A_35 = arith.constant 0 : index
    %get3A_36 = vector.load %arg7[%get3A_34, %get3A_35] : memref<1x256xf32, #tpu.memory_space<vmem>>, vector<1x256xf32>
    %reduce_sum3A = arith.constant dense<0.000000e+00> : vector<1000xf32>
    %reduce_sum3A_37 = vector.multi_reduction <add>, %mul3A, %reduce_sum3A [1] : vector<1000x256xf32> to vector<1000xf32>
    %broadcast_in_dim3A = vector.shape_cast %reduce_sum3A_37 : vector<1000xf32> to vector<1000x1xf32>
    %div3A_38 = arith.constant 2.560000e+02 : f32
    %div3A_39 = vector.broadcast %div3A_38 : f32 to vector<1000x1xf32>
    %div3A_40 = arith.divf %broadcast_in_dim3A, %div3A_39 : vector<1000x1xf32>
    %sub3A = vector.broadcast %div3A_40 : vector<1000x1xf32> to vector<1000x256xf32>
    %sub3A_41 = arith.subf %mul3A, %sub3A : vector<1000x256xf32>
    %sub3A_42 = vector.broadcast %div3A_40 : vector<1000x1xf32> to vector<1000x256xf32>
    %sub3A_43 = arith.subf %mul3A, %sub3A_42 : vector<1000x256xf32>
    %mul3A_44 = arith.mulf %sub3A_41, %sub3A_43 : vector<1000x256xf32>
    %reduce_sum3A_45 = arith.constant dense<0.000000e+00> : vector<1000xf32>
    %reduce_sum3A_46 = vector.multi_reduction <add>, %mul3A_44, %reduce_sum3A_45 [1] : vector<1000x256xf32> to vector<1000xf32>
    %broadcast_in_dim3A_47 = vector.shape_cast %reduce_sum3A_46 : vector<1000xf32> to vector<1000x1xf32>
    %div3A_48 = arith.constant 2.560000e+02 : f32
    %div3A_49 = vector.broadcast %div3A_48 : f32 to vector<1000x1xf32>
    %div3A_50 = arith.divf %broadcast_in_dim3A_47, %div3A_49 : vector<1000x1xf32>
    %sub3A_51 = vector.broadcast %div3A_40 : vector<1000x1xf32> to vector<1000x256xf32>
    %sub3A_52 = arith.subf %mul3A, %sub3A_51 : vector<1000x256xf32>
    %add3A_53 = arith.constant 9.99999974E-6 : f32
    %add3A_54 = vector.broadcast %add3A_53 : f32 to vector<1000x1xf32>
    %add3A_55 = arith.addf %div3A_50, %add3A_54 : vector<1000x1xf32>
    %sqrt3A = math.sqrt %add3A_55 : vector<1000x1xf32>
    %div3A_56 = vector.broadcast %sqrt3A : vector<1000x1xf32> to vector<1000x256xf32>
    %div3A_57 = arith.divf %sub3A_52, %div3A_56 : vector<1000x256xf32>
    %mul3A_58 = vector.broadcast %get3A_33 : vector<1x256xf32> to vector<1000x256xf32>
    %mul3A_59 = arith.mulf %div3A_57, %mul3A_58 : vector<1000x256xf32>
    %add3A_60 = vector.broadcast %get3A_36 : vector<1x256xf32> to vector<1000x256xf32>
    %add3A_61 = arith.addf %mul3A_59, %add3A_60 : vector<1000x256xf32>
    %get3A_62 = arith.constant 0 : index
    %get3A_63 = arith.constant 0 : index
    %get3A_64 = vector.load %arg4[%get3A_62, %get3A_63] : memref<1000x256xf32, #tpu.memory_space<vmem>>, vector<1000x256xf32>
    %add3A_65 = arith.addf %get3A_64, %add3A_61 : vector<1000x256xf32>
    %neg3A_66 = arith.constant 0.000000e+00 : f32
    %neg3A_67 = vector.broadcast %neg3A_66 : f32 to vector<1000x256xf32>
    %neg3A_68 = arith.subf %neg3A_67, %add3A_65 : vector<1000x256xf32>
    %exp3A_69 = math.exp %neg3A_68 : vector<1000x256xf32>
    %add3A_70 = arith.constant 1.000000e+00 : f32
    %add3A_71 = vector.broadcast %add3A_70 : f32 to vector<1000x256xf32>
    %add3A_72 = arith.addf %add3A_71, %exp3A_69 : vector<1000x256xf32>
    %div3A_73 = arith.constant 1.000000e+00 : f32
    %div3A_74 = vector.broadcast %div3A_73 : f32 to vector<1000x256xf32>
    %div3A_75 = arith.divf %div3A_74, %add3A_72 : vector<1000x256xf32>
    %mul3A_76 = arith.mulf %add3A_65, %div3A_75 : vector<1000x256xf32>
    %get3A_77 = arith.constant 0 : index
    %get3A_78 = arith.constant 0 : index
    %get3A_79 = vector.load %arg8[%get3A_77, %get3A_78] : memref<1x256xf32, #tpu.memory_space<vmem>>, vector<1x256xf32>
    %get3A_80 = arith.constant 0 : index
    %get3A_81 = arith.constant 0 : index
    %get3A_82 = vector.load %arg9[%get3A_80, %get3A_81] : memref<1x256xf32, #tpu.memory_space<vmem>>, vector<1x256xf32>
    %reduce_sum3A_83 = arith.constant dense<0.000000e+00> : vector<1000xf32>
    %reduce_sum3A_84 = vector.multi_reduction <add>, %mul3A_76, %reduce_sum3A_83 [1] : vector<1000x256xf32> to vector<1000xf32>
    %broadcast_in_dim3A_85 = vector.shape_cast %reduce_sum3A_84 : vector<1000xf32> to vector<1000x1xf32>
    %div3A_86 = arith.constant 2.560000e+02 : f32
    %div3A_87 = vector.broadcast %div3A_86 : f32 to vector<1000x1xf32>
    %div3A_88 = arith.divf %broadcast_in_dim3A_85, %div3A_87 : vector<1000x1xf32>
    %sub3A_89 = vector.broadcast %div3A_88 : vector<1000x1xf32> to vector<1000x256xf32>
    %sub3A_90 = arith.subf %mul3A_76, %sub3A_89 : vector<1000x256xf32>
    %sub3A_91 = vector.broadcast %div3A_88 : vector<1000x1xf32> to vector<1000x256xf32>
    %sub3A_92 = arith.subf %mul3A_76, %sub3A_91 : vector<1000x256xf32>
    %mul3A_93 = arith.mulf %sub3A_90, %sub3A_92 : vector<1000x256xf32>
    %reduce_sum3A_94 = arith.constant dense<0.000000e+00> : vector<1000xf32>
    %reduce_sum3A_95 = vector.multi_reduction <add>, %mul3A_93, %reduce_sum3A_94 [1] : vector<1000x256xf32> to vector<1000xf32>
    %broadcast_in_dim3A_96 = vector.shape_cast %reduce_sum3A_95 : vector<1000xf32> to vector<1000x1xf32>
    %div3A_97 = arith.constant 2.560000e+02 : f32
    %div3A_98 = vector.broadcast %div3A_97 : f32 to vector<1000x1xf32>
    %div3A_99 = arith.divf %broadcast_in_dim3A_96, %div3A_98 : vector<1000x1xf32>
    %sub3A_100 = vector.broadcast %div3A_88 : vector<1000x1xf32> to vector<1000x256xf32>
    %sub3A_101 = arith.subf %mul3A_76, %sub3A_100 : vector<1000x256xf32>
    %add3A_102 = arith.constant 9.99999974E-6 : f32
    %add3A_103 = vector.broadcast %add3A_102 : f32 to vector<1000x1xf32>
    %add3A_104 = arith.addf %div3A_99, %add3A_103 : vector<1000x1xf32>
    %sqrt3A_105 = math.sqrt %add3A_104 : vector<1000x1xf32>
    %div3A_106 = vector.broadcast %sqrt3A_105 : vector<1000x1xf32> to vector<1000x256xf32>
    %div3A_107 = arith.divf %sub3A_101, %div3A_106 : vector<1000x256xf32>
    %mul3A_108 = vector.broadcast %get3A_79 : vector<1x256xf32> to vector<1000x256xf32>
    %mul3A_109 = arith.mulf %div3A_107, %mul3A_108 : vector<1000x256xf32>
    %add3A_110 = vector.broadcast %get3A_82 : vector<1x256xf32> to vector<1000x256xf32>
    %add3A_111 = arith.addf %mul3A_109, %add3A_110 : vector<1000x256xf32>
    %get3A_112 = arith.constant 0 : index
    %get3A_113 = arith.constant 0 : index
    %get3A_114 = vector.load %arg10[%get3A_112, %get3A_113] : memref<256x128xf32, #tpu.memory_space<vmem>>, vector<256x128xf32>
    %dot_general3A = arith.constant dense<0.000000e+00> : vector<1000x128xf32>
    %dot_general3A_115 = tpu.matmul %add3A_111, %get3A_114, %dot_general3A {dimension_numbers = #tpu.dot_dimension_numbers<[1], [0], [0], [1], [0, 0, 1, 1], [], []>, transpose_lhs_hint = false} : vector<1000x256xf32>, vector<256x128xf32>, vector<1000x128xf32> -> vector<1000x128xf32>
    %swap3A = arith.constant 0 : index
    %swap3A_116 = arith.constant 0 : index
    %swap3A_117 = arith.constant 0 : index
    %swap3A_118 = vector.load %arg12[%swap3A, %swap3A_116, %swap3A_117] : memref<2x1000x128xf32, #tpu.memory_space<vmem>>, vector<1x1000x128xf32>
    %swap3A_119 = vector.shape_cast %swap3A_118 : vector<1x1000x128xf32> to vector<1000x128xf32>
    %swap3A_120 = vector.shape_cast %dot_general3A_115 : vector<1000x128xf32> to vector<1x1000x128xf32>
    tpu.vector_store %arg12[%swap3A, %swap3A_116, %swap3A_117], %swap3A_120 {strides = array<i32>} : memref<2x1000x128xf32, #tpu.memory_space<vmem>>, vector<1x1000x128xf32>,
    %swap3A_121 = arith.constant 1 : index
    %swap3A_122 = arith.constant 0 : index
    %swap3A_123 = arith.constant 0 : index
    %swap3A_124 = vector.load %arg12[%swap3A_121, %swap3A_122, %swap3A_123] : memref<2x1000x128xf32, #tpu.memory_space<vmem>>, vector<1x1000x128xf32>
    %swap3A_125 = vector.shape_cast %swap3A_124 : vector<1x1000x128xf32> to vector<1000x128xf32>
    %swap3A_126 = vector.shape_cast %dot_general3A_115 : vector<1000x128xf32> to vector<1x1000x128xf32>
    tpu.vector_store %arg12[%swap3A_121, %swap3A_122, %swap3A_123], %swap3A_126 {strides = array<i32>} : memref<2x1000x128xf32, #tpu.memory_space<vmem>>, vector<1x1000x128xf32>,
    %get3A_127 = arith.constant 0 : index
    %get3A_128 = arith.constant 0 : index
    %get3A_129 = vector.load %arg11[%get3A_127, %get3A_128] : memref<256x128xf32, #tpu.memory_space<vmem>>, vector<256x128xf32>
    %dot_general3A_130 = arith.constant dense<0.000000e+00> : vector<1000x128xf32>
    %dot_general3A_131 = tpu.matmul %add3A_111, %get3A_129, %dot_general3A_130 {dimension_numbers = #tpu.dot_dimension_numbers<[1], [0], [0], [1], [0, 0, 1, 1], [], []>, transpose_lhs_hint = false} : vector<1000x256xf32>, vector<256x128xf32>, vector<1000x128xf32> -> vector<1000x128xf32>
    %swap3A_132 = arith.constant 0 : index
    %swap3A_133 = arith.constant 0 : index
    %swap3A_134 = vector.load %arg13[%swap3A_132, %swap3A_133] : memref<1000x128xf32, #tpu.memory_space<vmem>>, vector<1000x128xf32>
    tpu.vector_store %arg13[%swap3A_132, %swap3A_133], %dot_general3A_131 {strides = array<i32>} : memref<1000x128xf32, #tpu.memory_space<vmem>>, vector<1000x128xf32>,
    return
  }
  func.func @transform_0(%arg0: i32) -> (i32, i32, i32) {
    %c0_i32 = arith.constant 0 : i32
    %c0_i32_0 = arith.constant 0 : i32
    %c0_i32_1 = arith.constant 0 : i32
    return %c0_i32, %arg0, %c0_i32_0 : i32, i32, i32
  }
  func.func @transform_1(%arg0: i32) -> (i32, i32) {
    %c0_i32 = arith.constant 0 : i32
    %c0_i32_0 = arith.constant 0 : i32
    return %arg0, %c0_i32 : i32, i32
  }
  func.func @transform_2(%arg0: i32) -> (i32, i32) {
    %c0_i32 = arith.constant 0 : i32
    %c0_i32_0 = arith.constant 0 : i32
    return %arg0, %c0_i32 : i32, i32
  }
  func.func @transform_3(%arg0: i32) -> (i32, i32) {
    %c0_i32 = arith.constant 0 : i32
    %c0_i32_0 = arith.constant 0 : i32
    return %arg0, %c0_i32 : i32, i32
  }
  func.func @transform_4(%arg0: i32) -> (i32, i32) {
    %c0_i32 = arith.constant 0 : i32
    %c0_i32_0 = arith.constant 0 : i32
    %c0_i32_1 = arith.constant 0 : i32
    return %c0_i32, %c0_i32_0 : i32, i32
  }
  func.func @transform_5(%arg0: i32) -> (i32, i32) {
    %c0_i32 = arith.constant 0 : i32
    %c0_i32_0 = arith.constant 0 : i32
    %c0_i32_1 = arith.constant 0 : i32
    return %c0_i32, %c0_i32_0 : i32, i32
  }
  func.func @transform_6(%arg0: i32) -> (i32, i32) {
    %c0_i32 = arith.constant 0 : i32
    %c0_i32_0 = arith.constant 0 : i32
    %c0_i32_1 = arith.constant 0 : i32
    return %c0_i32, %c0_i32_0 : i32, i32
  }
  func.func @transform_7(%arg0: i32) -> (i32, i32) {
    %c0_i32 = arith.constant 0 : i32
    %c0_i32_0 = arith.constant 0 : i32
    %c0_i32_1 = arith.constant 0 : i32
    return %c0_i32, %c0_i32_0 : i32, i32
  }
  func.func @transform_8(%arg0: i32) -> (i32, i32) {
    %c0_i32 = arith.constant 0 : i32
    %c0_i32_0 = arith.constant 0 : i32
    %c0_i32_1 = arith.constant 0 : i32
    return %c0_i32, %c0_i32_0 : i32, i32
  }
  func.func @transform_9(%arg0: i32) -> (i32, i32) {
    %c0_i32 = arith.constant 0 : i32
    %c0_i32_0 = arith.constant 0 : i32
    %c0_i32_1 = arith.constant 0 : i32
    return %c0_i32, %c0_i32_0 : i32, i32
  }
  func.func @transform_10(%arg0: i32) -> (i32, i32) {
    %c0_i32 = arith.constant 0 : i32
    %c0_i32_0 = arith.constant 0 : i32
    %c0_i32_1 = arith.constant 0 : i32
    return %c0_i32, %c0_i32_0 : i32, i32
  }
  func.func @transform_11(%arg0: i32) -> (i32, i32, i32) {
    %c0_i32 = arith.constant 0 : i32
    %c0_i32_0 = arith.constant 0 : i32
    %c0_i32_1 = arith.constant 0 : i32
    return %c0_i32, %arg0, %c0_i32_0 : i32, i32, i32
  }
  func.func @transform_12(%arg0: i32) -> (i32, i32) {
    %c0_i32 = arith.constant 0 : i32
    %c0_i32_0 = arith.constant 0 : i32
    return %arg0, %c0_i32 : i32, i32
  }
}

module attributes {stable_mosaic.version = 14 : i64} {
  func.func @_dense3_body(%arg0: i32, %arg1: memref<2x1000x128xf32, #tpu.memory_space<vmem>>, %arg2: memref<1000x1xf32, #tpu.memory_space<vmem>>, %arg3: memref<1000x128xf32, #tpu.memory_space<vmem>>, %arg4: memref<1x128xf32, #tpu.memory_space<vmem>>, %arg5: memref<1x128xf32, #tpu.memory_space<vmem>>, %arg6: memref<1x128xf32, #tpu.memory_space<vmem>>, %arg7: memref<1000x128xf32, #tpu.memory_space<vmem>>) attributes {dimension_semantics = [#tpu.dimension_semantics<arbitrary>], iteration_bounds = array<i64: 10>, scalar_prefetch = 0 : i64, scratch_operands = 0 : i64, tpu.core_type = #tpu.core_type<tc>, window_params = [{transform_indices = @transform_0, window_bounds = array<i64: 2, 1000, 128>}, {transform_indices = @transform_1, window_bounds = array<i64: 1000, 1>}, {transform_indices = @transform_2, window_bounds = array<i64: 1000, 128>}, {pipeline_mode = #tpu.pipeline_mode<synchronous>, transform_indices = @transform_3, window_bounds = array<i64: 1, 128>}, {pipeline_mode = #tpu.pipeline_mode<synchronous>, transform_indices = @transform_4, window_bounds = array<i64: 1, 128>}, {pipeline_mode = #tpu.pipeline_mode<synchronous>, transform_indices = @transform_5, window_bounds = array<i64: 1, 128>}, {transform_indices = @transform_6, window_bounds = array<i64: 1000, 128>}]} {
    %get3A = arith.constant 0 : index
    %get3A_0 = arith.constant 0 : index
    %get3A_1 = vector.load %arg2[%get3A, %get3A_0] : memref<1000x1xf32, #tpu.memory_space<vmem>>, vector<1000x1xf32>
    %max3A = arith.constant 1.000000e+00 : f32
    %max3A_2 = vector.broadcast %max3A : f32 to vector<1000x1xf32>
    %max3A_3 = arith.maximumf %get3A_1, %max3A_2 : vector<1000x1xf32>
    %get3A_4 = arith.constant 0 : index
    %get3A_5 = arith.constant 0 : index
    %get3A_6 = arith.constant 0 : index
    %get3A_7 = vector.load %arg1[%get3A_4, %get3A_5, %get3A_6] : memref<2x1000x128xf32, #tpu.memory_space<vmem>>, vector<1x1000x128xf32>
    %get3A_8 = vector.shape_cast %get3A_7 : vector<1x1000x128xf32> to vector<1000x128xf32>
    %get3A_9 = arith.constant 1 : index
    %get3A_10 = arith.constant 0 : index
    %get3A_11 = arith.constant 0 : index
    %get3A_12 = vector.load %arg1[%get3A_9, %get3A_10, %get3A_11] : memref<2x1000x128xf32, #tpu.memory_space<vmem>>, vector<1x1000x128xf32>
    %get3A_13 = vector.shape_cast %get3A_12 : vector<1x1000x128xf32> to vector<1000x128xf32>
    %add3A = arith.addf %get3A_8, %get3A_13 : vector<1000x128xf32>
    %div3A = vector.broadcast %max3A_3 : vector<1000x1xf32> to vector<1000x128xf32>
    %div3A_14 = arith.divf %add3A, %div3A : vector<1000x128xf32>
    %get3A_15 = arith.constant 0 : index
    %get3A_16 = arith.constant 0 : index
    %get3A_17 = vector.load %arg4[%get3A_15, %get3A_16] : memref<1x128xf32, #tpu.memory_space<vmem>>, vector<1x128xf32>
    %add3A_18 = vector.broadcast %get3A_17 : vector<1x128xf32> to vector<1000x128xf32>
    %add3A_19 = arith.addf %div3A_14, %add3A_18 : vector<1000x128xf32>
    %get3A_20 = arith.constant 0 : index
    %get3A_21 = arith.constant 0 : index
    %get3A_22 = vector.load %arg3[%get3A_20, %get3A_21] : memref<1000x128xf32, #tpu.memory_space<vmem>>, vector<1000x128xf32>
    %add3A_23 = arith.addf %add3A_19, %get3A_22 : vector<1000x128xf32>
    %get3A_24 = arith.constant 0 : index
    %get3A_25 = arith.constant 0 : index
    %get3A_26 = vector.load %arg5[%get3A_24, %get3A_25] : memref<1x128xf32, #tpu.memory_space<vmem>>, vector<1x128xf32>
    %get3A_27 = arith.constant 0 : index
    %get3A_28 = arith.constant 0 : index
    %get3A_29 = vector.load %arg6[%get3A_27, %get3A_28] : memref<1x128xf32, #tpu.memory_space<vmem>>, vector<1x128xf32>
    %reduce_sum3A = arith.constant dense<0.000000e+00> : vector<1000xf32>
    %reduce_sum3A_30 = vector.multi_reduction <add>, %add3A_23, %reduce_sum3A [1] : vector<1000x128xf32> to vector<1000xf32>
    %broadcast_in_dim3A = vector.shape_cast %reduce_sum3A_30 : vector<1000xf32> to vector<1000x1xf32>
    %div3A_31 = arith.constant 1.280000e+02 : f32
    %div3A_32 = vector.broadcast %div3A_31 : f32 to vector<1000x1xf32>
    %div3A_33 = arith.divf %broadcast_in_dim3A, %div3A_32 : vector<1000x1xf32>
    %sub3A = vector.broadcast %div3A_33 : vector<1000x1xf32> to vector<1000x128xf32>
    %sub3A_34 = arith.subf %add3A_23, %sub3A : vector<1000x128xf32>
    %sub3A_35 = vector.broadcast %div3A_33 : vector<1000x1xf32> to vector<1000x128xf32>
    %sub3A_36 = arith.subf %add3A_23, %sub3A_35 : vector<1000x128xf32>
    %mul3A = arith.mulf %sub3A_34, %sub3A_36 : vector<1000x128xf32>
    %reduce_sum3A_37 = arith.constant dense<0.000000e+00> : vector<1000xf32>
    %reduce_sum3A_38 = vector.multi_reduction <add>, %mul3A, %reduce_sum3A_37 [1] : vector<1000x128xf32> to vector<1000xf32>
    %broadcast_in_dim3A_39 = vector.shape_cast %reduce_sum3A_38 : vector<1000xf32> to vector<1000x1xf32>
    %div3A_40 = arith.constant 1.280000e+02 : f32
    %div3A_41 = vector.broadcast %div3A_40 : f32 to vector<1000x1xf32>
    %div3A_42 = arith.divf %broadcast_in_dim3A_39, %div3A_41 : vector<1000x1xf32>
    %sub3A_43 = vector.broadcast %div3A_33 : vector<1000x1xf32> to vector<1000x128xf32>
    %sub3A_44 = arith.subf %add3A_23, %sub3A_43 : vector<1000x128xf32>
    %add3A_45 = arith.constant 9.99999974E-6 : f32
    %add3A_46 = vector.broadcast %add3A_45 : f32 to vector<1000x1xf32>
    %add3A_47 = arith.addf %div3A_42, %add3A_46 : vector<1000x1xf32>
    %sqrt3A = math.sqrt %add3A_47 : vector<1000x1xf32>
    %div3A_48 = vector.broadcast %sqrt3A : vector<1000x1xf32> to vector<1000x128xf32>
    %div3A_49 = arith.divf %sub3A_44, %div3A_48 : vector<1000x128xf32>
    %mul3A_50 = vector.broadcast %get3A_26 : vector<1x128xf32> to vector<1000x128xf32>
    %mul3A_51 = arith.mulf %div3A_49, %mul3A_50 : vector<1000x128xf32>
    %add3A_52 = vector.broadcast %get3A_29 : vector<1x128xf32> to vector<1000x128xf32>
    %add3A_53 = arith.addf %mul3A_51, %add3A_52 : vector<1000x128xf32>
    %swap3A = arith.constant 0 : index
    %swap3A_54 = arith.constant 0 : index
    %swap3A_55 = vector.load %arg7[%swap3A, %swap3A_54] : memref<1000x128xf32, #tpu.memory_space<vmem>>, vector<1000x128xf32>
    tpu.vector_store %arg7[%swap3A, %swap3A_54], %add3A_53 {strides = array<i32>} : memref<1000x128xf32, #tpu.memory_space<vmem>>, vector<1000x128xf32>,
    return
  }
  func.func @transform_0(%arg0: i32) -> (i32, i32, i32) {
    %c0_i32 = arith.constant 0 : i32
    %c0_i32_0 = arith.constant 0 : i32
    %c0_i32_1 = arith.constant 0 : i32
    return %c0_i32, %arg0, %c0_i32_0 : i32, i32, i32
  }
  func.func @transform_1(%arg0: i32) -> (i32, i32) {
    %c0_i32 = arith.constant 0 : i32
    %c0_i32_0 = arith.constant 0 : i32
    return %arg0, %c0_i32 : i32, i32
  }
  func.func @transform_2(%arg0: i32) -> (i32, i32) {
    %c0_i32 = arith.constant 0 : i32
    %c0_i32_0 = arith.constant 0 : i32
    return %arg0, %c0_i32 : i32, i32
  }
  func.func @transform_3(%arg0: i32) -> (i32, i32) {
    %c0_i32 = arith.constant 0 : i32
    %c0_i32_0 = arith.constant 0 : i32
    %c0_i32_1 = arith.constant 0 : i32
    return %c0_i32, %c0_i32_0 : i32, i32
  }
  func.func @transform_4(%arg0: i32) -> (i32, i32) {
    %c0_i32 = arith.constant 0 : i32
    %c0_i32_0 = arith.constant 0 : i32
    %c0_i32_1 = arith.constant 0 : i32
    return %c0_i32, %c0_i32_0 : i32, i32
  }
  func.func @transform_5(%arg0: i32) -> (i32, i32) {
    %c0_i32 = arith.constant 0 : i32
    %c0_i32_0 = arith.constant 0 : i32
    %c0_i32_1 = arith.constant 0 : i32
    return %c0_i32, %c0_i32_0 : i32, i32
  }
  func.func @transform_6(%arg0: i32) -> (i32, i32) {
    %c0_i32 = arith.constant 0 : i32
    %c0_i32_0 = arith.constant 0 : i32
    return %arg0, %c0_i32 : i32, i32
  }
}

</mosaic_0001>

<sc_bundles>
// kernel: kernel.10.cloned.1.call-start
scs
__scs_entry_jumppad:
0x0: {  	(pc) =	sbr.rel $0x88, $3  }
0x1: {  	(tag) =	ssettag $0x0;
	lr =	simm.s32 $0x1  }
0x2: {  	[smem:$0x3F91] =	sst lr;
	_ =	strace $0xD0000000  }
0x3: {  	_ = 	snop  }
0x4: {  	_ = 	snop  }
0x5: {  	_ = 	snop  }
0x6: {  	_ = 	snop  }
0x7: {  	_ = 	snop  }
__scs_overlays_trampoline_lowered:
0x8: {  	[smem:$0x3FA0] =	sst s0  }
0x9: {  	[smem:$0x3FA1] =	sst s1  }
0xa: {  	[smem:$0x3FA2] =	sst s2  }
0xb: {  	[smem:$0x3FA3] =	sst s3  }
0xc: {  	[smem:$0x3FA4] =	sst s4  }
0xd: {  	[smem:$0x3FA5] =	sst s5  }
0xe: {  	[smem:$0x3FA6] =	sst s6  }
0xf: {  	[smem:$0x3FA7] =	sst s7  }
0x10: {  	[smem:$0x3FA8] =	sst s8  }
0x11: {  	[smem:$0x3FA9] =	sst s9;
	s0 =	simm.s32 @!p0 $0x0  }
0x12: {  	s1 =	sld [smem:$0x3F8F];
	s0 =	simm.s32 @p0 $0x1  }
0x13: {  	[smem:$0x3FAA] =	sst s0;
	s0 =	simm.s32 @!p1 $0x0  }
0x14: {  	s2 =	sld [smem:$0x3F8E];
	s0 =	simm.s32 @p1 $0x1  }
0x15: {  	[smem:$0x3FAB] =	sst s0;
	s0 =	simm.s32 @!p2 $0x0  }
0x16: {  	s3 =	sld [smem:$0x3FDB];
	s0 =	simm.s32 @p2 $0x1  }
0x17: {  	s4 =	simm.s32 $0x1BF5;
	[smem:$0x3FAD] =	sst s0  }
0x18: {  	s0 =	sld [smem:$0x3F90];
	_ =	swait.ge [sflag:s4], $0x0  }
0x19: {  	s7 =	sld [smem:$0x3F91]  }
0x1a: {  	s8 =	sadd.s32 $0xFFFFE003, lr  }
0x1b: {  	s9 =	sadd.s32 $0xFFFFFEF7, lr;
	s5 =	simm.s32 $0xFFFFFFFF;
	p2 =	slt.u32 s8, $0xFFFFF086  }
0x1c: {  	p1 =	slt.u32 s9, $0xF7A;
	s5 =	simm.s32 @!p2 $0x0  }
0x1d: {  	s5 =	simm.s32 @p1 $0x1;
	p0 =	seq.s32 s7, s2  }
0x1e: {  	s7 =	smul.u32 @!p0 $0xF7A, s2;
	p2 =	seq.s32 @!p0 s5, $0x0  }
0x1f: {  	s9 =	smul.u32 $0xF7A, s1;
	s8 =	simm.s32 @!p0 $0x1BF5;
	p2 =	por !p2, p0  }
0x20: {  	[sflag:s8] =	ssyncset.s32 @!p0 $0xFFFFF086;
	s6 =	sadd.s32 @!p0 s3, s7;
	s7 =	simm.s32 @!p0 $0x108  }
0x21: {  	s3 =	sadd.s32 s3, s9;
	s6 =	sadd.s32 @!p0 $0x88, s6;
	s7 =	simm.s32 @p2 $0x1082  }
0x22: {  	[simem:s7], [sflag:s8] =	dma.local @!p0 [hbm:s6], $0xF7A  }
0x23: {  	s9 =	sor.u32 $0xD0000000, s2;
	s6 =	simm.s32 $0x108;
	_ =	swait.ge @!p0 [sflag:s8], $0x0  }
0x24: {  	s3 =	sadd.s32 $0x88, s3;
	s6 =	simm.s32 @!p1 $0x1082;
	[sflag:s4] =	ssyncset.s32 $0xFFFFF086  }
0x25: {  	[simem:s6], [sflag:s4] =	dma.local [hbm:s3], $0xF7A  }
0x26: {  	[smem:$0x3F91] =	sst s1;
	(tag) =	ssettag s2;
	_ =	strace s9  }
0x27: {  	s1 =	sld [smem:$0x3FA1]  }
0x28: {  	s2 =	sld [smem:$0x3FA2]  }
0x29: {  	s4 =	sld [smem:$0x3FA4]  }
0x2a: {  	p0 =	seq.s32 s5, $0x0;
	s5 =	sld [smem:$0x3FA5]  }
0x2b: {  	s6 =	sld [smem:$0x3FA6]  }
0x2c: {  	s7 =	sld [smem:$0x3FA7]  }
0x2d: {  	s3 =	simm.s32 $0x108;
	s8 =	sld [smem:$0x3FA8]  }
0x2e: {  	s3 =	simm.s32 @!p0 $0x1082;
	s9 =	sld [smem:$0x3FA9]  }
0x2f: {  	lr =	sadd.s32 s0, s3;
	s0 =	sld [smem:$0x3FA0]  }
0x30: {  	s3 =	sld [smem:$0x3FA3]  }
0x31: {  	[smem:$0x3FAC] =	sst s10  }
0x32: {  	s10 =	sld [smem:$0x3FAA];
	_ =	sdelay $0x3  }
0x33: {  	p0 =	seq.s32 s10, $0x1;
	s10 =	sld [smem:$0x3FAC];
	_ =	sdelay $0x3  }
0x34: {  	[smem:$0x3FAC] =	sst s10  }
0x35: {  	s10 =	sld [smem:$0x3FAB];
	_ =	sdelay $0x3  }
0x36: {  	p1 =	seq.s32 s10, $0x1;
	s10 =	sld [smem:$0x3FAC];
	_ =	sdelay $0x3  }
0x37: {  	[smem:$0x3FAC] =	sst s10  }
0x38: {  	s10 =	sld [smem:$0x3FAD]  }
0x39: {  	_ = 	snop;
	(pc) =	sbr.ind lr, $3  }
0x3a: {  	_ = 	snop  }
0x3b: {  	_ = 	snop  }
0x3c: {  	p2 =	seq.s32 s10, $0x1;
	s10 =	sld [smem:$0x3FAC]  }
0x3d: {  	_ =	shalt  }
0x3e: {  	_ =	shalt  }
0x3f: {  	_ =	shalt  }
0x40: {  	_ =	shalt  }
0x41: {  	_ =	shalt  }
0x42: {  	_ =	shalt  }
0x43: {  	_ =	shalt  }
0x44: {  	_ =	shalt  }
0x45: {  	_ =	shalt  }
0x46: {  	_ =	shalt  }
0x47: {  	_ =	shalt  }
0x48: {  	_ =	shalt  }
0x49: {  	_ =	shalt  }
0x4a: {  	_ =	shalt  }
0x4b: {  	_ =	shalt  }
0x4c: {  	_ =	shalt  }
0x4d: {  	_ =	shalt  }
0x4e: {  	_ =	shalt  }
0x4f: {  	_ =	shalt  }
0x50: {  	_ =	shalt  }
0x51: {  	_ =	shalt  }
0x52: {  	_ =	shalt  }
0x53: {  	_ =	shalt  }
0x54: {  	_ =	shalt  }
0x55: {  	_ =	shalt  }
0x56: {  	_ =	shalt  }
0x57: {  	_ =	shalt  }
0x58: {  	_ =	shalt  }
0x59: {  	_ =	shalt  }
0x5a: {  	_ =	shalt  }
0x5b: {  	_ =	shalt  }
0x5c: {  	_ =	shalt  }
0x5d: {  	_ =	shalt  }
0x5e: {  	_ =	shalt  }
0x5f: {  	_ =	shalt  }
0x60: {  	_ =	shalt  }
0x61: {  	_ =	shalt  }
0x62: {  	_ =	shalt  }
0x63: {  	_ =	shalt  }
0x64: {  	_ =	shalt  }
0x65: {  	_ =	shalt  }
0x66: {  	_ =	shalt  }
0x67: {  	_ =	shalt  }
0x68: {  	_ =	shalt  }
0x69: {  	_ =	shalt  }
0x6a: {  	_ =	shalt  }
0x6b: {  	_ =	shalt  }
0x6c: {  	_ =	shalt  }
0x6d: {  	_ =	shalt  }
0x6e: {  	_ =	shalt  }
0x6f: {  	_ =	shalt  }
0x70: {  	_ =	shalt  }
0x71: {  	_ =	shalt  }
0x72: {  	_ =	shalt  }
0x73: {  	_ =	shalt  }
0x74: {  	_ =	shalt  }
0x75: {  	_ =	shalt  }
0x76: {  	_ =	shalt  }
0x77: {  	_ =	shalt  }
0x78: {  	_ =	shalt  }
0x79: {  	_ =	shalt  }
0x7a: {  	_ =	shalt  }
0x7b: {  	_ =	shalt  }
0x7c: {  	_ =	shalt  }
0x7d: {  	_ =	shalt  }
0x7e: {  	_ =	shalt  }
0x7f: {  	_ =	shalt  }
0x80: {  	_ =	shalt  }
0x81: {  	_ =	shalt  }
0x82: {  	_ =	shalt  }
0x83: {  	_ =	shalt  }
0x84: {  	_ =	shalt  }
0x85: {  	_ =	shalt  }
0x86: {  	_ =	shalt  }
0x87: {  	_ =	shalt  }
.Lfunc_end0:
.L_simem_size_0:
called_computation.1_lowered:
.L_overlay_start_0:
0x88: {  	s2 =	sld [smem:$0x3FD9]  }
0x89: {  	s3 =	sld [smem:$0x3FFE];
	_ =	sdelay $0x1  }
0x8a: {  	s1 =	srdreg.scid  }
0x8b: {  	s0 =	sand.u32 $0x1, s1  }
0x8c: {  	s16 =	sshll.u32 s0, $0xA;
	s2 =	sadd.s32 s3, s2  }
0x8d: {  	s2 =	sadd.s32 s2, s16  }
0x8e: {  	[smem:$0x3FB8] =	sst s2  }
0x8f: {  	_ = 	snop  }
0x90: {  	(tm) =	ssettm $0x1  }
0x91: {  	s17 =	sld [smem:$0x3FFB];
	_ =	sdelay $0x3  }
0x92: {  	_ =	strace s17  }
0x93: {  	s2 =	sld [smem:$0x3FFC];
	_ =	sdelay $0x3  }
0x94: {  	_ =	strace s2  }
0x95: {  	s2 =	sld [smem:$0x3FFD];
	_ =	sdelay $0x3  }
0x96: {  	_ =	strace s2  }
0x97: {  	_ =	strace $0x8FFFFFFF  }
0x98: {  	s18 =	sld [smem:$0x3FDB];
	_ =	sdelay $0x1  }
0x99: {  	s19 =	simm.s32 $_scs_section_size  }
0x9a: {  	s4 =	simm.s32 $_size__tile_overlayer_lowered;
	s5 =	simm.s32 $_tile_overlayer_lowered  }
0x9b: {  	s22 =	simm.s32 $0x1BFF;
	s21 =	sshll.u32 s5, $0x1;
	s2 =	sadd.s32 s19, s18  }
0x9c: {  	s6 =	simm.s32 $0x0;
	s20 =	sshll.u32 s4, $0x1;
	s4 =	sadd.s32 s21, s2  }
0x9d: {  	[timem:s6], [sflag:s22] =	dma.local [hbm:s4], s20  }
0x9e: {  	_ =	swait.ge [sflag:s22], s20  }
0x9f: {  	s3 =	ssub.s32 $0x0, s20;
	[sflag:s22] =	ssyncset.done $0x0  }
0xa0: {  	[sflag:s22] =	ssyncadd.s32 s3;
	_ =	sdelay $0x1  }
0xa1: {  	s23 =	simm.s32 $0x1B8B  }
0xa2: {  	_ =	swait.ge [sflag:s23], $0x1  }
0xa3: {  	[sflag:s23] =	ssyncset.done $0x0  }
0xa4: {  	s25 =	simm.s32 $0x1B8E;
	s24 =	sld [smem:$0x3FFE];
	[sflag:s23] =	ssyncadd.s32 $0xFFFFFFFF  }
0xa5: {  	s26 =	simm.s32 $execute0_lowered;
	[smem:$0x3FD2] =	sst s25  }
0xa6: {  	s4 =	sshll.u32 s26, $0x1;
	_ =	strace $0x80000049;
	[dreg:$0x1] =	wrdreg $0xFFFFFFFF  }
0xa7: {  	s28 =	simm.s32 $_size_execute0_lowered;
	s2 =	sadd.s32 s2, s4;
	[dreg:$0x0] =	wrdreg $0x0  }
0xa8: {  	s4 =	sshll.u32 s28, $0x1;
	[dreg:$0x2] =	wrdreg s2  }
0xa9: {  	[dreg:$0x3] =	wrdreg s4  }
0xaa: {  	[dreg:$0x4] =	wrdreg $0xC0  }
0xab: {  	_ =	task [dreg:s6], $0x5FFFF  }
0xac: {  	[dreg:$0x1] =	wrdreg $0xFFFFFFFF  }
0xad: {  	[dreg:$0x0] =	wrdreg $0x60  }
0xae: {  	[dreg:$0x2] =	wrdreg s24  }
0xaf: {  	[dreg:$0x3] =	wrdreg $0xA8000  }
0xb0: {  	[dreg:$0x4] =	wrdreg $0x9  }
0xb1: {  	_ =	task.clear_ibuf [dreg:s6], $0x5FFFF;
	_ =	strace $0x90000049  }
0xb2: {  	s29 =	simm.s32 $0x9;
	_ =	strace $0x8000004B  }
0xb3: {  	_ =	swait.ge [sflag:s29], $0x1  }
0xb4: {  	[sflag:s29] =	ssyncadd.s32 $0xFFFFFFFF  }
0xb5: {  	_ =	strace $0x9000004B  }
0xb6: {  	_ =	sfence  }
0xb7: {  	s30 =	sld [smem:$0x0];
	_ =	sdelay $0x2  }
0xb8: {  	s31 =	sshll.u32 s1, $0xD;
	s1 =	sshrl.u32 s1, $0x2  }
0xb9: {  	s3 =	sand.u32 $0x4000, s31;
	s1 =	sadd.s32 s1, s30  }
0xba: {  	s0 =	sor.u32 s3, s0;
	s1 =	sshll.u32 s1, $0x11  }
0xbb: {  	s0 =	sor.u32 s1, s0  }
0xbc: {  	s0 =	sadd.s32 $0x8F2B, s0  }
0xbd: {  	[sflag:s0] =	ssyncadd.remote.s32 $0x1  }
0xbe: {  	_ =	sfence.sel $0xFFFF  }
0xbf: {  	[dreg:$0x0] =	wrdreg $0xFFFFFFFF;
	(pc) =	sbr.abs _section_cstart, $3  }
0xc0: {  	[dreg:$0x1] =	wrdreg $0xFFFFFFFF  }
0xc1: {  	_ =	task.clear_ibuf [dreg:s6], $0x2FFFF;
	_ =	strace $0x9FFFFFFF  }
0xc2: {  	(tm) =	ssettm $0x7FFFFFFF  }
0xc3: {  	_ =	shalt  }
tec
execute0_lowered:
.L_overlay_start_1:
0x0: {  	(tag) =	ssettag $0x1  }
0x1: {  	s0 =	srdreg.scid;
	s1 =	rddreg [dreg:$0x0]  }
0x2: {  	s23 =	stileid.u32;
	s2 =	rddreg [dreg:$0x1]  }
0x3: {  	s3 =	simm.s32 $0x0;
	s16 =	simm.s32 $0x1400;
	s17 =	simm.s32 $0x80  }
0x4: {  	s18 =	simm.s32 $0x2800;
	s19 =	simm.s32 $0x6800;
	s6 =	smul.u32 $0x1400, s23  }
0x5: {  	s20 =	simm.s32 $0x3;
	s21 =	simm.s32 $0x2;
	s8 =	smul.u32 $0x13800, s23  }
0x6: {  	s5 =	sand.u32 $0x1, s0;
	[smem:$0x7FF] =	sst s3;
	s11 =	smul.u32 $0x4E000, s23  }
0x7: {  	s12 =	sadd.s32 $0x3200, s1;
	s26 =	sshll.u32 s23, $0x6;
	s15 =	sadd.s32 $0x138000, s2  }
0x8: {  	p0 =	sne.s32 s23, $0xF;
	s23 =	simm.s32 $0x4;
	s4 =	smul.u32 $0x14000, s5  }
0x9: {  	_ =	strace $0x8000004A;
	s24 =	ssub.s32 $0x2, s5;
	s28 =	smul.u32 $0x138800, s5  }
0xa: {  	s15 =	sshrl.u32 @!p0 s15, $0x3;
	s7 =	sshrl.u32 s8, $0x3;
	s10 =	sshrl.u32 s24, $0x1  }
0xb: {  	s25 =	sshrl.u32 s11, $0x2;
	s4 =	sadd.s32 s6, s4;
	s7 =	sadd.s32 s7, s1  }
0xc: {  	s13 =	ssub.s32 s24, s10;
	s14 =	sadd.s32 s25, s2;
	s30 =	sadd.s32 s8, s28  }
0xd: {  	s11 =	sshrl.u32 s28, $0x3;
	s6 =	sshrl.u32 s4, $0x3;
	s4 =	sadd.s32 $0x11EA00, s1  }
0xe: {  	s24 =	simm.s32 $0x0;
	s29 =	sadd.s32 $0xF7800, s7;
	s7 =	sadd.s32 $0x11E800, s1  }
0xf: {  	s31 =	sadd.s32 s12, s11;
	s9 =	sadd.s32 s6, s1;
	[dreg:$0x3] =	wrdreg s29  }
0x10: {  	s6 =	sor.u32 $0x1C05, s26;
	s1 =	sshrl.u32 s30, $0x3;
	s11 =	sadd.s32 $0x27000, s31  }
0x11: {  	s8 =	sadd.s32 $0x172600, s9;
	s9 =	sadd.s32 $0x16D600, s9;
	s10 =	sadd.s32 s12, s1  }
0x12: {  	s12 =	smax.u32 s13, $0x1;
	s13 =	sshrl.u32 s14, $0x3;
	s14 =	simm.s32 $0x5  }
.LBB2_1:
0x13: {  	s0 =	rddreg [dreg:$0x3]  }
0x14: {  	[spmem:s13], [sflag:s6] =	dma.local [hbm:s0], $0x2700  }
0x15: {  	_ =	swait.ge [sflag:s14], $0x2700  }
0x16: {  	[sflag:s14] =	ssyncset.done $0x0  }
0x17: {  	s1 =	simm.s32 @!p0 $0x5;
	[sflag:s14] =	ssyncadd.s32 $0xFFFFD900  }
0x18: {  	[spmem:s15], [sflag:s6] =	dma.local @!p0 [hbm:s7], $0x100  }
0x19: {  	_ =	swait.ge @!p0 [sflag:s1], $0x100  }
0x1a: {  	[sflag:s1] =	ssyncset.done @!p0 $0x0  }
0x1b: {  	[sflag:s1] =	ssyncadd.s32 @!p0 $0xFFFFFF00  }
0x1c: {  	[bflag:$0x0] =	sbarrier.arrive $0xFFFF  }
0x1d: {  	[tilespmem:s3], [sflag:$0x5] =	stream.linear.gather [hbm4b:s8+s3], $0x1400, $0x38;
	[tilespmem:$0x1E100] =	vst v63  }
0x1e: {  	_ =	swait.ge [sflag:s14], $0x1400  }
0x1f: {  	[sflag:s14] =	ssyncset.done $0x0  }
0x20: {  	[sflag:s14] =	ssyncadd.s32 $0xFFFFEC00  }
0x21: {  	[tilespmem:s16], [sflag:$0x5] =	stream.linear.gather [hbm4b:s9+s3], $0x1400, $0x38;
	[tilespmem:$0x1E100] =	vst v63  }
0x22: {  	_ =	swait.ge [sflag:s14], $0x1400  }
0x23: {  	[sflag:s14] =	ssyncset.done $0x0  }
0x24: {  	[sflag:s14] =	ssyncadd.s32 $0xFFFFEC00  }
0x25: {  	[tilespmem:s18], [sflag:$0x1] =	stream.indirect.gather [hbm4b:s4+s17], $0x80, s3, s17, $0xb8;
	[tilespmem:$0x1E100] =	vst v63  }
0x26: {  	s0 =	simm.s32 $0x1  }
0x27: {  	[tilespmem:s19], [sflag:$0x2] =	stream.indirect.gather [hbm4b:s4+s17], $0x80, s17, s17, $0xb8;
	[tilespmem:$0x1E100] =	vst v63  }
0x28: {  	s1 =	sand.u32 $0x1, s0;
	_ =	swait.ge [sflag:s0], $0x4000  }
0x29: {  	p1 =	seq.s32 s1, $0x1;
	[sflag:s0] =	ssyncset.done $0x0  }
0x2a: {  	s1 =	simm.s32 @p1 $0x3;
	[sflag:s0] =	ssyncadd.s32 $0xFFFFC000  }
0x2b: {  	[spmem:s2] =	stream.indirect.scatter.add.f32 [tilespmem:s18], [sflag:$0x3], $0x80, s16, s17, $0xb8;
	[tilespmem:$0x1E100] =	vst v63  }
0x2c: {  	s26 =	simm.s32 $0x100;
	_ =	swait.ge @p1 [sflag:s1], $0x4000  }
0x2d: {  	s25 =	simm.s32 @p1 $0x2;
	[sflag:s1] =	ssyncset.done @p1 $0x0;
	p1 =	por p1, p1  }
0x2e: {  	[sflag:s1] =	ssyncadd.s32 @p1 $0xFFFFC000;
	s1 =	simm.s32 @p1 $0x80;
	s28 =	simm.s32 @p1 $0x2800  }
0x2f: {  	[tilespmem:s28], [sflag:$0x1] =	stream.indirect.gather @p1 [hbm4b:s4+s1], $0x80, s26, s1, $0xb8;
	[tilespmem:$0x1E100] =	vst v63  }
0x30: {  	_ =	swait.ge @p1 [sflag:s25], $0x4000  }
0x31: {  	s30 =	simm.s32 @!p1 $0x4;
	[sflag:s25] =	ssyncset.done @p1 $0x0  }
0x32: {  	s28 =	simm.s32 $0x1480;
	[sflag:s25] =	ssyncadd.s32 @p1 $0xFFFFC000;
	s25 =	simm.s32 @p1 $0x6800  }
0x33: {  	[spmem:s2] =	stream.indirect.scatter.add.f32 @p1 [tilespmem:s25], [sflag:$0x4], $0x80, s28, s1, $0xb8;
	[tilespmem:$0x1E100] =	vst v63  }
0x34: {  	s5 =	simm.s32 $0x2;
	s29 =	simm.s32 $0x3;
	_ =	swait.ge @!p1 [sflag:s30], $0x4000  }
0x35: {  	s22 =	sand.u32 $0x1, s5;
	s31 =	simm.s32 @!p1 $0x1;
	[sflag:s30] =	ssyncset.done @!p1 $0x0  }
0x36: {  	s0 =	simm.s32 @!p1 $0x6800;
	[sflag:s30] =	ssyncadd.s32 @!p1 $0xFFFFC000;
	s30 =	simm.s32 @!p1 $0x80  }
0x37: {  	[tilespmem:s0], [sflag:$0x2] =	stream.indirect.gather @!p1 [hbm4b:s4+s30], $0x80, s26, s30, $0xb8;
	[tilespmem:$0x1E100] =	vst v63  }
0x38: {  	p3 =	seq.s32 s22, $0x1;
	s25 =	simm.s32 $0x180;
	_ =	swait.ge @!p1 [sflag:s31], $0x4000  }
0x39: {  	s1 =	simm.s32 @!p1 $0x2800;
	s26 =	simm.s32 $0x1500;
	[sflag:s31] =	ssyncset.done @!p1 $0x0  }
.LBB2_2:
0x3a: {  	s0 =	simm.s32 @p3 $0x3;
	[sflag:s31] =	ssyncadd.s32 @!p1 $0xFFFFC000  }
0x3b: {  	s22 =	smov.u32 s29;
	s29 =	sadd.s32 $0x1, s29;
	s5 =	smov.u32 s25  }
0x3c: {  	[spmem:s2] =	stream.indirect.scatter.add.f32 @!p1 [tilespmem:s1], [sflag:$0x3], $0x80, s28, s30, $0xb8;
	[tilespmem:$0x1E100] =	vst v63  }
0x3d: {  	p2 =	sne.s32 s29, $0x27;
	s28 =	smov.u32 s26;
	_ =	swait.ge @p3 [sflag:s0], $0x4000  }
0x3e: {  	s1 =	simm.s32 @p3 $0x2;
	p1 =	por p3, p3;
	[sflag:s0] =	ssyncset.done @p3 $0x0  }
0x3f: {  	s30 =	simm.s32 @p1 $0x2800;
	[sflag:s0] =	ssyncadd.s32 @p1 $0xFFFFC000;
	s0 =	simm.s32 @p1 $0x80  }
0x40: {  	[tilespmem:s30], [sflag:$0x1] =	stream.indirect.gather @p1 [hbm4b:s4+s0], $0x80, s25, s0, $0xb8;
	[tilespmem:$0x1E100] =	vst v63  }
0x41: {  	_ =	swait.ge @p1 [sflag:s1], $0x4000  }
0x42: {  	[sflag:s1] =	ssyncset.done @p1 $0x0  }
0x43: {  	s30 =	simm.s32 @!p1 $0x4;
	[sflag:s1] =	ssyncadd.s32 @p1 $0xFFFFC000;
	s1 =	simm.s32 @p1 $0x6800  }
0x44: {  	[spmem:s2] =	stream.indirect.scatter.add.f32 @p1 [tilespmem:s1], [sflag:$0x4], $0x80, s26, s0, $0xb8;
	[tilespmem:$0x1E100] =	vst v63  }
0x45: {  	s25 =	sadd.s32 $0x80, s25;
	_ =	swait.ge @!p1 [sflag:s30], $0x4000  }
.Ltmp0:
0x46: {  	s31 =	simm.s32 @!p1 $0x1;
	[sflag:s30] =	ssyncset.done @!p1 $0x0;
	(pc) =	sbr.rel @p2 .LBB2_2-.Ltmp0, $4  }
0x47: {  	s0 =	simm.s32 @!p1 $0x6800;
	[sflag:s30] =	ssyncadd.s32 @!p1 $0xFFFFC000;
	s30 =	simm.s32 @!p1 $0x80  }
0x48: {  	[tilespmem:s0], [sflag:$0x2] =	stream.indirect.gather @!p1 [hbm4b:s4+s30], $0x80, s5, s30, $0xb8;
	[tilespmem:$0x1E100] =	vst v63  }
0x49: {  	s26 =	sadd.s32 $0x80, s26;
	s0 =	sand.u32 $0x1, s22;
	_ =	swait.ge @!p1 [sflag:s31], $0x4000  }
0x4a: {  	s1 =	simm.s32 @!p1 $0x2800;
	p3 =	seq.s32 s0, $0x1;
	[sflag:s31] =	ssyncset.done @!p1 $0x0  }
0x4b: {  	s0 =	simm.s32 @p3 $0x3;
	[sflag:s31] =	ssyncadd.s32 @!p1 $0xFFFFC000  }
0x4c: {  	[spmem:s2] =	stream.indirect.scatter.add.f32 @!p1 [tilespmem:s1], [sflag:$0x3], $0x80, s28, s30, $0xb8;
	[tilespmem:$0x1E100] =	vst v63  }
0x4d: {  	_ =	swait.ge @p3 [sflag:s0], $0x4000  }
0x4e: {  	s1 =	simm.s32 @p3 $0x2;
	p1 =	por p3, p3;
	[sflag:s0] =	ssyncset.done @p3 $0x0  }
0x4f: {  	s5 =	simm.s32 @p1 $0x2800;
	[sflag:s0] =	ssyncadd.s32 @p1 $0xFFFFC000;
	s0 =	simm.s32 @p1 $0x80  }
0x50: {  	[tilespmem:s5], [sflag:$0x1] =	stream.indirect.gather @p1 [hbm4b:s4+s0], $0x80, s25, s0, $0xb8;
	[tilespmem:$0x1E100] =	vst v63  }
0x51: {  	_ =	swait.ge @p1 [sflag:s1], $0x4000  }
0x52: {  	[sflag:s1] =	ssyncset.done @p1 $0x0  }
0x53: {  	s5 =	simm.s32 @!p1 $0x4;
	[sflag:s1] =	ssyncadd.s32 @p1 $0xFFFFC000;
	s1 =	simm.s32 @p1 $0x6800  }
0x54: {  	[spmem:s2] =	stream.indirect.scatter.add.f32 @p1 [tilespmem:s1], [sflag:$0x4], $0x80, s26, s0, $0xb8;
	[tilespmem:$0x1E100] =	vst v63  }
0x55: {  	_ =	swait.ge @!p1 [sflag:s5], $0x4000  }
0x56: {  	s0 =	simm.s32 @!p1 $0x1;
	[sflag:s5] =	ssyncset.done @!p1 $0x0  }
0x57: {  	s1 =	simm.s32 @!p1 $0x80;
	[sflag:s5] =	ssyncadd.s32 @!p1 $0xFFFFC000;
	s5 =	simm.s32 @!p1 $0x6800  }
0x58: {  	[tilespmem:s5], [sflag:$0x2] =	stream.indirect.gather @!p1 [hbm4b:s4+s1], $0x80, s25, s1, $0xb8;
	[tilespmem:$0x1E100] =	vst v63  }
0x59: {  	_ =	swait.ge @!p1 [sflag:s0], $0x4000  }
0x5a: {  	[sflag:s0] =	ssyncset.done @!p1 $0x0  }
0x5b: {  	s5 =	simm.s32 @!p1 $0x2800;
	[sflag:s0] =	ssyncadd.s32 @!p1 $0xFFFFC000  }
0x5c: {  	[spmem:s2] =	stream.indirect.scatter.add.f32 @!p1 [tilespmem:s5], [sflag:$0x3], $0x80, s26, s1, $0xb8;
	[tilespmem:$0x1E100] =	vst v63  }
0x5d: {  	_ =	swait.ge [sflag:s20], $0x4000  }
0x5e: {  	[sflag:s20] =	ssyncset.done $0x0  }
0x5f: {  	[sflag:s20] =	ssyncadd.s32 $0xFFFFC000  }
0x60: {  	_ =	swait.ge [sflag:s21], $0x4000  }
0x61: {  	[sflag:s21] =	ssyncset.done $0x0  }
0x62: {  	s31 =	simm.s32 $0x2780;
	[sflag:s21] =	ssyncadd.s32 $0xFFFFC000  }
0x63: {  	[spmem:s2] =	stream.indirect.scatter.add.f32 [tilespmem:s19], [sflag:$0x4], $0x80, s31, s17, $0xb8;
	[tilespmem:$0x1E100] =	vst v63  }
0x64: {  	_ =	swait.ge [sflag:s23], $0x4000  }
0x65: {  	[sflag:s23] =	ssyncset.done $0x0  }
0x66: {  	[sflag:s23] =	ssyncadd.s32 $0xFFFFC000  }
0x67: {  	[bflag:$0x0] =	sbarrier.arrive $0xFFFF  }
0x68: {  	[hbm:s10], [sflag:s6] =	dma.local [spmem:s13], $0x2700  }
0x69: {  	s24 =	sadd.s32 $0x1, s24;
	_ =	swait.ge [sflag:s14], $0x2700  }
0x6a: {  	p1 =	sne.s32 s24, s12;
	[sflag:s14] =	ssyncset.done $0x0  }
.Ltmp1:
0x6b: {  	s0 =	simm.s32 @!p0 $0x5;
	[sflag:s14] =	ssyncadd.s32 $0xFFFFD900;
	(pc) =	sbr.rel @p1 .LBB2_1-.Ltmp1, $4  }
0x6c: {  	[hbm:s11], [sflag:s6] =	dma.local @!p0 [spmem:s15], $0x100  }
0x6d: {  	_ =	swait.ge @!p0 [sflag:s0], $0x100  }
0x6e: {  	[sflag:s0] =	ssyncset.done @!p0 $0x0  }
0x6f: {  	[sflag:s0] =	ssyncadd.s32 @!p0 $0xFFFFFF00  }
0x70: {  	_ =	sfence.sel $0x180000  }
0x71: {  	[bflag:$0x0] =	sbarrier.arrive $0xFFFF  }
0x72: {  	_ =	strace $0x9000004A  }
0x73: {  	s0 =	stileid.u32;
	[bflag:$0x2] =	sbarrier.arrive $0xFFFF  }
0x74: {  	p0 =	sne.s32 s0, $0x0;
	s0 =	rddreg [dreg:$0x2]  }
0x75: {  	s0 =	sadd.s32 @!p0 $0x100000, s0  }
0x76: {  	[sflag:s0] =	ssyncadd.tile.s32 @!p0 $0x1;
	_ =	shalt  }
.Lfunc_end2:
_tile_overlayer_lowered:
.L_overlay_start_2:
0x77: {  	(tag) =	ssettag $0x2  }
0x78: {  	s0 =	rddreg [dreg:$0x0];
	s2 =	stileid.u32  }
0x79: {  	s1 =	rddreg [dreg:$0x1];
	p0 =	sne.s32 s2, $0x0  }
0x7a: {  	s3 =	rddreg [dreg:$0x2];
	[bflag:$0x3] =	sbarrier.arrive $0xFFFF;
	s2 =	simm.s32 @!p0 $0x1C05  }
0x7b: {  	[timem:s3], [sflag:s2] =	dma.local @!p0 [hbm:s0], s1  }
0x7c: {  	s0 =	simm.s32 @!p0 $0x5  }
0x7d: {  	_ =	swait.ge @!p0 [sflag:s0], s1  }
0x7e: {  	s1 =	ssub.s32 @!p0 $0x0, s1;
	[sflag:s0] =	ssyncset.done @!p0 $0x0  }
0x7f: {  	[sflag:s0] =	ssyncadd.s32 @!p0 s1  }
0x80: {  	[bflag:$0x3] =	sbarrier.arrive $0xFFFF  }
0x81: {  	_ =	shalt  }

// kernel: kernel.7.cloned.1.call-start
scs
__scs_entry_jumppad:
0x0: {  	(pc) =	sbr.rel $0x88, $3  }
0x1: {  	(tag) =	ssettag $0x0;
	lr =	simm.s32 $0x1  }
0x2: {  	[smem:$0x3F91] =	sst lr;
	_ =	strace $0xD0000000  }
0x3: {  	_ = 	snop  }
0x4: {  	_ = 	snop  }
0x5: {  	_ = 	snop  }
0x6: {  	_ = 	snop  }
0x7: {  	_ = 	snop  }
__scs_overlays_trampoline_lowered:
0x8: {  	[smem:$0x3FA0] =	sst s0  }
0x9: {  	[smem:$0x3FA1] =	sst s1  }
0xa: {  	[smem:$0x3FA2] =	sst s2  }
0xb: {  	[smem:$0x3FA3] =	sst s3  }
0xc: {  	[smem:$0x3FA4] =	sst s4  }
0xd: {  	[smem:$0x3FA5] =	sst s5  }
0xe: {  	[smem:$0x3FA6] =	sst s6  }
0xf: {  	[smem:$0x3FA7] =	sst s7  }
0x10: {  	[smem:$0x3FA8] =	sst s8  }
0x11: {  	[smem:$0x3FA9] =	sst s9;
	s0 =	simm.s32 @!p0 $0x0  }
0x12: {  	s1 =	sld [smem:$0x3F8F];
	s0 =	simm.s32 @p0 $0x1  }
0x13: {  	[smem:$0x3FAA] =	sst s0;
	s0 =	simm.s32 @!p1 $0x0  }
0x14: {  	s2 =	sld [smem:$0x3F8E];
	s0 =	simm.s32 @p1 $0x1  }
0x15: {  	[smem:$0x3FAB] =	sst s0;
	s0 =	simm.s32 @!p2 $0x0  }
0x16: {  	s3 =	sld [smem:$0x3FDB];
	s0 =	simm.s32 @p2 $0x1  }
0x17: {  	s4 =	simm.s32 $0x1BF5;
	[smem:$0x3FAD] =	sst s0  }
0x18: {  	s0 =	sld [smem:$0x3F90];
	_ =	swait.ge [sflag:s4], $0x0  }
0x19: {  	s7 =	sld [smem:$0x3F91]  }
0x1a: {  	s8 =	sadd.s32 $0xFFFFE003, lr  }
0x1b: {  	s9 =	sadd.s32 $0xFFFFFEF7, lr;
	s5 =	simm.s32 $0xFFFFFFFF;
	p2 =	slt.u32 s8, $0xFFFFF086  }
0x1c: {  	p1 =	slt.u32 s9, $0xF7A;
	s5 =	simm.s32 @!p2 $0x0  }
0x1d: {  	s5 =	simm.s32 @p1 $0x1;
	p0 =	seq.s32 s7, s2  }
0x1e: {  	s7 =	smul.u32 @!p0 $0xF7A, s2;
	p2 =	seq.s32 @!p0 s5, $0x0  }
0x1f: {  	s9 =	smul.u32 $0xF7A, s1;
	s8 =	simm.s32 @!p0 $0x1BF5;
	p2 =	por !p2, p0  }
0x20: {  	[sflag:s8] =	ssyncset.s32 @!p0 $0xFFFFF086;
	s6 =	sadd.s32 @!p0 s3, s7;
	s7 =	simm.s32 @!p0 $0x108  }
0x21: {  	s3 =	sadd.s32 s3, s9;
	s6 =	sadd.s32 @!p0 $0x88, s6;
	s7 =	simm.s32 @p2 $0x1082  }
0x22: {  	[simem:s7], [sflag:s8] =	dma.local @!p0 [hbm:s6], $0xF7A  }
0x23: {  	s9 =	sor.u32 $0xD0000000, s2;
	s6 =	simm.s32 $0x108;
	_ =	swait.ge @!p0 [sflag:s8], $0x0  }
0x24: {  	s3 =	sadd.s32 $0x88, s3;
	s6 =	simm.s32 @!p1 $0x1082;
	[sflag:s4] =	ssyncset.s32 $0xFFFFF086  }
0x25: {  	[simem:s6], [sflag:s4] =	dma.local [hbm:s3], $0xF7A  }
0x26: {  	[smem:$0x3F91] =	sst s1;
	(tag) =	ssettag s2;
	_ =	strace s9  }
0x27: {  	s1 =	sld [smem:$0x3FA1]  }
0x28: {  	s2 =	sld [smem:$0x3FA2]  }
0x29: {  	s4 =	sld [smem:$0x3FA4]  }
0x2a: {  	p0 =	seq.s32 s5, $0x0;
	s5 =	sld [smem:$0x3FA5]  }
0x2b: {  	s6 =	sld [smem:$0x3FA6]  }
0x2c: {  	s7 =	sld [smem:$0x3FA7]  }
0x2d: {  	s3 =	simm.s32 $0x108;
	s8 =	sld [smem:$0x3FA8]  }
0x2e: {  	s3 =	simm.s32 @!p0 $0x1082;
	s9 =	sld [smem:$0x3FA9]  }
0x2f: {  	lr =	sadd.s32 s0, s3;
	s0 =	sld [smem:$0x3FA0]  }
0x30: {  	s3 =	sld [smem:$0x3FA3]  }
0x31: {  	[smem:$0x3FAC] =	sst s10  }
0x32: {  	s10 =	sld [smem:$0x3FAA];
	_ =	sdelay $0x3  }
0x33: {  	p0 =	seq.s32 s10, $0x1;
	s10 =	sld [smem:$0x3FAC];
	_ =	sdelay $0x3  }
0x34: {  	[smem:$0x3FAC] =	sst s10  }
0x35: {  	s10 =	sld [smem:$0x3FAB];
	_ =	sdelay $0x3  }
0x36: {  	p1 =	seq.s32 s10, $0x1;
	s10 =	sld [smem:$0x3FAC];
	_ =	sdelay $0x3  }
0x37: {  	[smem:$0x3FAC] =	sst s10  }
0x38: {  	s10 =	sld [smem:$0x3FAD]  }
0x39: {  	_ = 	snop;
	(pc) =	sbr.ind lr, $3  }
0x3a: {  	_ = 	snop  }
0x3b: {  	_ = 	snop  }
0x3c: {  	p2 =	seq.s32 s10, $0x1;
	s10 =	sld [smem:$0x3FAC]  }
0x3d: {  	_ =	shalt  }
0x3e: {  	_ =	shalt  }
0x3f: {  	_ =	shalt  }
0x40: {  	_ =	shalt  }
0x41: {  	_ =	shalt  }
0x42: {  	_ =	shalt  }
0x43: {  	_ =	shalt  }
0x44: {  	_ =	shalt  }
0x45: {  	_ =	shalt  }
0x46: {  	_ =	shalt  }
0x47: {  	_ =	shalt  }
0x48: {  	_ =	shalt  }
0x49: {  	_ =	shalt  }
0x4a: {  	_ =	shalt  }
0x4b: {  	_ =	shalt  }
0x4c: {  	_ =	shalt  }
0x4d: {  	_ =	shalt  }
0x4e: {  	_ =	shalt  }
0x4f: {  	_ =	shalt  }
0x50: {  	_ =	shalt  }
0x51: {  	_ =	shalt  }
0x52: {  	_ =	shalt  }
0x53: {  	_ =	shalt  }
0x54: {  	_ =	shalt  }
0x55: {  	_ =	shalt  }
0x56: {  	_ =	shalt  }
0x57: {  	_ =	shalt  }
0x58: {  	_ =	shalt  }
0x59: {  	_ =	shalt  }
0x5a: {  	_ =	shalt  }
0x5b: {  	_ =	shalt  }
0x5c: {  	_ =	shalt  }
0x5d: {  	_ =	shalt  }
0x5e: {  	_ =	shalt  }
0x5f: {  	_ =	shalt  }
0x60: {  	_ =	shalt  }
0x61: {  	_ =	shalt  }
0x62: {  	_ =	shalt  }
0x63: {  	_ =	shalt  }
0x64: {  	_ =	shalt  }
0x65: {  	_ =	shalt  }
0x66: {  	_ =	shalt  }
0x67: {  	_ =	shalt  }
0x68: {  	_ =	shalt  }
0x69: {  	_ =	shalt  }
0x6a: {  	_ =	shalt  }
0x6b: {  	_ =	shalt  }
0x6c: {  	_ =	shalt  }
0x6d: {  	_ =	shalt  }
0x6e: {  	_ =	shalt  }
0x6f: {  	_ =	shalt  }
0x70: {  	_ =	shalt  }
0x71: {  	_ =	shalt  }
0x72: {  	_ =	shalt  }
0x73: {  	_ =	shalt  }
0x74: {  	_ =	shalt  }
0x75: {  	_ =	shalt  }
0x76: {  	_ =	shalt  }
0x77: {  	_ =	shalt  }
0x78: {  	_ =	shalt  }
0x79: {  	_ =	shalt  }
0x7a: {  	_ =	shalt  }
0x7b: {  	_ =	shalt  }
0x7c: {  	_ =	shalt  }
0x7d: {  	_ =	shalt  }
0x7e: {  	_ =	shalt  }
0x7f: {  	_ =	shalt  }
0x80: {  	_ =	shalt  }
0x81: {  	_ =	shalt  }
0x82: {  	_ =	shalt  }
0x83: {  	_ =	shalt  }
0x84: {  	_ =	shalt  }
0x85: {  	_ =	shalt  }
0x86: {  	_ =	shalt  }
0x87: {  	_ =	shalt  }
.Lfunc_end0:
.L_simem_size_0:
called_computation_lowered:
.L_overlay_start_0:
0x88: {  	s2 =	sld [smem:$0x3FD9]  }
0x89: {  	s3 =	sld [smem:$0x3FFE];
	_ =	sdelay $0x1  }
0x8a: {  	s1 =	srdreg.scid  }
0x8b: {  	s0 =	sand.u32 $0x1, s1  }
0x8c: {  	s17 =	sshll.u32 s0, $0xA;
	s2 =	sadd.s32 s3, s2  }
0x8d: {  	s2 =	sadd.s32 s2, s17  }
0x8e: {  	[smem:$0x3FB8] =	sst s2  }
0x8f: {  	_ = 	snop  }
0x90: {  	s2 =	sld [smem:$0x3FD0];
	(tm) =	ssettm $0x1  }
0x91: {  	s18 =	sld [smem:$0x3FFB];
	_ =	sdelay $0x3  }
0x92: {  	_ =	strace s18  }
0x93: {  	s3 =	sld [smem:$0x3FFC];
	_ =	sdelay $0x3  }
0x94: {  	_ =	strace s3  }
0x95: {  	s3 =	sld [smem:$0x3FFD];
	_ =	sdelay $0x3  }
0x96: {  	_ =	strace s3  }
0x97: {  	_ =	strace $0x8FFFFFFF  }
0x98: {  	s19 =	sld [smem:$0x3FDB];
	_ =	sdelay $0x1  }
0x99: {  	s4 =	simm.s32 $_scs_section_size  }
0x9a: {  	s5 =	simm.s32 $_size__tile_overlayer_lowered;
	s6 =	simm.s32 $_tile_overlayer_lowered  }
0x9b: {  	s22 =	simm.s32 $0x1BFF;
	s21 =	sshll.u32 s6, $0x1;
	s3 =	sadd.s32 s4, s19  }
0x9c: {  	s7 =	simm.s32 $0x0;
	s20 =	sshll.u32 s5, $0x1;
	s5 =	sadd.s32 s21, s3  }
0x9d: {  	[timem:s7], [sflag:s22] =	dma.local [hbm:s5], s20  }
0x9e: {  	_ =	swait.ge [sflag:s22], s20  }
0x9f: {  	s4 =	ssub.s32 $0x0, s20;
	[sflag:s22] =	ssyncset.done $0x0  }
0xa0: {  	[sflag:s22] =	ssyncadd.s32 s4;
	_ =	sdelay $0x1  }
0xa1: {  	s23 =	simm.s32 $0x1B8B  }
0xa2: {  	_ =	swait.ge [sflag:s23], $0x1  }
0xa3: {  	[sflag:s23] =	ssyncset.done $0x0  }
0xa4: {  	s25 =	simm.s32 $0x1B8E;
	s24 =	sld [smem:$0x3FFE];
	[sflag:s23] =	ssyncadd.s32 $0xFFFFFFFF  }
0xa5: {  	s26 =	simm.s32 $execute0_lowered;
	[smem:$0x3FD2] =	sst s25  }
0xa6: {  	s5 =	sshll.u32 s26, $0x1;
	_ =	strace $0x80000046;
	[dreg:$0x1] =	wrdreg $0xFFFFFFFF  }
0xa7: {  	s28 =	simm.s32 $_size_execute0_lowered;
	s3 =	sadd.s32 s3, s5;
	[dreg:$0x0] =	wrdreg $0x0  }
0xa8: {  	s5 =	sshll.u32 s28, $0x1;
	[dreg:$0x2] =	wrdreg s3  }
0xa9: {  	[dreg:$0x3] =	wrdreg s5  }
0xaa: {  	[dreg:$0x4] =	wrdreg $0xC0  }
0xab: {  	_ =	task [dreg:s7], $0x5FFFF  }
0xac: {  	[dreg:$0x1] =	wrdreg $0xFFFFFFFF  }
0xad: {  	[dreg:$0x0] =	wrdreg $0x60  }
0xae: {  	[dreg:$0x2] =	wrdreg s24  }
0xaf: {  	[dreg:$0x3] =	wrdreg s2  }
0xb0: {  	[dreg:$0x4] =	wrdreg $0xA8000  }
0xb1: {  	[dreg:$0x5] =	wrdreg $0x1E3800  }
0xb2: {  	[dreg:$0x6] =	wrdreg $0x9  }
0xb3: {  	_ =	task.clear_ibuf [dreg:s7], $0x7FFFF;
	_ =	strace $0x90000046  }
0xb4: {  	s29 =	simm.s32 $0x9;
	_ =	strace $0x80000048  }
0xb5: {  	_ =	swait.ge [sflag:s29], $0x1  }
0xb6: {  	[sflag:s29] =	ssyncadd.s32 $0xFFFFFFFF  }
0xb7: {  	_ =	strace $0x90000048  }
0xb8: {  	_ =	sfence  }
0xb9: {  	s30 =	sld [smem:$0x0];
	_ =	sdelay $0x2  }
0xba: {  	s31 =	sshll.u32 s1, $0xD;
	s1 =	sshrl.u32 s1, $0x2  }
0xbb: {  	s3 =	sand.u32 $0x4000, s31;
	s1 =	sadd.s32 s1, s30  }
0xbc: {  	s0 =	sor.u32 s3, s0;
	s1 =	sshll.u32 s1, $0x11  }
0xbd: {  	s0 =	sor.u32 s1, s0  }
0xbe: {  	s0 =	sadd.s32 $0x8F2B, s0  }
0xbf: {  	[sflag:s0] =	ssyncadd.remote.s32 $0x1  }
0xc0: {  	_ =	sfence.sel $0xFFFF  }
0xc1: {  	[dreg:$0x0] =	wrdreg $0xFFFFFFFF;
	(pc) =	sbr.abs _section_cstart, $3  }
0xc2: {  	[dreg:$0x1] =	wrdreg $0xFFFFFFFF  }
0xc3: {  	_ =	task.clear_ibuf [dreg:s7], $0x2FFFF;
	_ =	strace $0x9FFFFFFF  }
0xc4: {  	(tm) =	ssettm $0x7FFFFFFF  }
0xc5: {  	_ =	shalt  }
tec
execute0_lowered:
.L_overlay_start_1:
0x0: {  	(tag) =	ssettag $0x1  }
0x1: {  	s0 =	rddreg [dreg:$0x0]  }
0x2: {  	s1 =	rddreg [dreg:$0x1]  }
0x3: {  	s2 =	rddreg [dreg:$0x2]  }
0x4: {  	s3 =	rddreg [dreg:$0x3];
	s4 =	simm.s32 $0x0;
	s18 =	stileid.u32  }
0x5: {  	s8 =	srdreg.scid;
	s28 =	simm.s32 $0x6800;
	s29 =	simm.s32 $0x1  }
0x6: {  	s30 =	simm.s32 $0x3;
	s31 =	simm.s32 $0x2;
	[smem:$0x7FF] =	sst s4  }
0x7: {  	s6 =	smul.u32 $0x13800, s18;
	s5 =	sadd.s32 $0x51400, s0;
	s10 =	sadd.s32 $0xED800, s0  }
0x8: {  	s12 =	sand.u32 $0x1, s8;
	s14 =	sadd.s32 $0x11F400, s0;
	s9 =	smul.u32 $0x4E000, s18  }
0x9: {  	s15 =	sadd.s32 $0x11EA00, s0;
	s13 =	smul.u32 $0xA00, s18;
	s19 =	sshll.u32 s18, $0x6  }
0xa: {  	s17 =	smul.u32 $0x2800, s18;
	p0 =	sne.s32 s18, $0xF;
	p1 =	seq.s32 s18, $0xF  }
0xb: {  	_ =	strace $0x80000047;
	s8 =	ssub.s32 $0x2, s12;
	s26 =	smul.u32 $0x28000, s12  }
0xc: {  	s23 =	smul.u32 $0x138800, s12;
	p2 =	sne.s32 s12, $0x0;
	p3 =	seq.s32 s12, $0x0  }
0xd: {  	s7 =	sshrl.u32 s6, $0x3;
	s11 =	sshrl.u32 s8, $0x1;
	s25 =	sshrl.u32 s9, $0x2  }
0xe: {  	s9 =	sadd.s32 $0x138000, s2;
	s20 =	sshrl.u32 s13, $0x2;
	s13 =	sadd.s32 $0x2580, s3  }
0xf: {  	s7 =	sadd.s32 s7, s0;
	s16 =	ssub.s32 s8, s11;
	s8 =	sadd.s32 s25, s2  }
0x10: {  	s0 =	sadd.s32 $0x11E800, s0;
	s21 =	sadd.s32 s17, s26;
	s11 =	sadd.s32 s20, s3  }
0x11: {  	s6 =	sadd.s32 s6, s23;
	s20 =	smul.u32 $0x500, s18;
	[dreg:$0x5] =	wrdreg s8  }
0x12: {  	s23 =	sshrl.u32 s23, $0x3;
	s7 =	sadd.s32 $0xF7800, s7;
	[dreg:$0x7] =	wrdreg s0  }
0x13: {  	s22 =	sshrl.u32 s21, $0x3;
	s24 =	sadd.s32 $0x200, s11;
	[dreg:$0x6] =	wrdreg s7  }
0x14: {  	s8 =	sor.u32 $0x1C06, s19;
	[dreg:$0x8] =	wrdreg s24;
	s25 =	sadd.s32 s1, s22  }
0x15: {  	s19 =	sshrl.u32 s6, $0x3;
	s26 =	sadd.s32 s10, s22;
	[dreg:$0x9] =	wrdreg s25  }
0x16: {  	s0 =	sadd.s32 $0x280, s22;
	s21 =	sadd.s32 s14, s19;
	[dreg:$0xa] =	wrdreg s26  }
0x17: {  	s22 =	sshll.u32 s12, $0x7;
	s1 =	sadd.s32 s1, s0;
	[dreg:$0xd] =	wrdreg s21  }
0x18: {  	s24 =	sshll.u32 s12, $0x4;
	s0 =	sadd.s32 s10, s0;
	[dreg:$0xb] =	wrdreg s1  }
0x19: {  	s6 =	sadd.s32 s24, s15;
	s24 =	simm.s32 $0x1400;
	[dreg:$0xc] =	wrdreg s0  }
0x1a: {  	s0 =	sor.u32 s22, s20;
	s1 =	sadd.s32 s14, s23;
	s26 =	sadd.s32 $0x960, s6  }
0x1b: {  	s22 =	smax.u32 s16, $0x1;
	s23 =	simm.s32 $0x6;
	s0 =	sshrl.u32 s0, $0x3  }
0x1c: {  	s25 =	sadd.s32 $0x27000, s1;
	[dreg:$0x10] =	wrdreg s26;
	s26 =	simm.s32 $0x2800  }
0x1d: {  	s1 =	simm.s32 $0x0;
	s0 =	sadd.s32 s15, s0;
	[dreg:$0xf] =	wrdreg s25  }
0x1e: {  	s25 =	simm.s32 $0x80;
	[dreg:$0xe] =	wrdreg s0;
	s0 =	simm.s32 $0x2780  }
.LBB2_1:
0x1f: {  	s6 =	rddreg [dreg:$0x5]  }
0x20: {  	s7 =	rddreg [dreg:$0x6];
	s6 =	sshrl.u32 s6, $0x3  }
0x21: {  	[spmem:s6], [sflag:s8] =	dma.local [hbm:s7], $0x2700  }
0x22: {  	_ =	swait.ge [sflag:s23], $0x2700  }
0x23: {  	[sflag:s23] =	ssyncset.done $0x0  }
0x24: {  	s7 =	sshrl.u32 @!p0 s9, $0x3;
	s10 =	rddreg [dreg:$0x7];
	[sflag:s23] =	ssyncadd.s32 $0xFFFFD900  }
0x25: {  	[spmem:s7], [sflag:s8] =	dma.local @!p0 [hbm:s10], $0x100  }
0x26: {  	s7 =	simm.s32 @!p0 $0x6  }
0x27: {  	p4 =	por $0x1, $0x1;
	s10 =	simm.f32 $1.000000000e+00;
	_ =	swait.ge @!p0 [sflag:s7], $0x100  }
0x28: {  	s10 =	simm.s32 @!p4 $0x0;
	[sflag:s7] =	ssyncset.done @!p0 $0x0  }
0x29: {  	v0 =	vmov s10;
	[sflag:s7] =	ssyncadd.s32 @!p0 $0xFFFFFF00;
	s7 =	simm.s32 $0x1E100  }
0x2a: {  	s10 =	simm.s32 $0x1;
	[tilespmem:s7+$0x0] =	vst v0  }
.LBB2_2:
0x2b: {  	p5 =	sne.s32 s10, $0x27  }
.Ltmp0:
0x2c: {  	_ = 	snop;
	(pc) =	sbr.rel @p5 .LBB2_2-.Ltmp0, $4  }
0x2d: {  	p4 =	slt.u32 s10, $0x8;
	s12 =	simm.f32 $1.000000000e+00  }
0x2e: {  	s12 =	simm.s32 @!p4 $0x0  }
0x2f: {  	s7 =	sadd.s32 $0x10, s7;
	v0 =	vmov s12  }
0x30: {  	s10 =	sadd.s32 $0x1, s10;
	[tilespmem:s7+$0x0] =	vst v0  }
0x31: {  	s7 =	simm.s32 @p1 $0x1E180  }
0x32: {  	[spmem:s13] =	stream.linear.scatter @p1 [tilespmem:s7], [sflag:$0x6], $0x200, $0x38;
	[tilespmem:$0x1E5F8] =	vst v63  }
0x33: {  	s7 =	simm.s32 @p1 $0x6  }
0x34: {  	_ =	swait.ge @p1 [sflag:s7], $0x200  }
0x35: {  	[sflag:s7] =	ssyncset.done @p1 $0x0  }
0x36: {  	s10 =	simm.s32 @!p1 $0x6;
	[sflag:s7] =	ssyncadd.s32 @p1 $0xFFFFFE00;
	s7 =	simm.s32 @!p1 $0x1E180  }
0x37: {  	[spmem:s11] =	stream.linear.scatter @!p1 [tilespmem:s7], [sflag:$0x6], $0x200, $0x38;
	[tilespmem:$0x1E5F8] =	vst v63  }
0x38: {  	_ =	swait.ge @!p1 [sflag:s10], $0x200  }
0x39: {  	[sflag:s10] =	ssyncset.done @!p1 $0x0  }
0x3a: {  	s12 =	rddreg [dreg:$0x8];
	[sflag:s10] =	ssyncadd.s32 @!p1 $0xFFFFFE00  }
0x3b: {  	[spmem:s12] =	stream.linear.scatter @!p1 [tilespmem:s7], [sflag:$0x6], $0x80, $0x38;
	[tilespmem:$0x1E5F8] =	vst v63  }
0x3c: {  	_ =	swait.ge @!p1 [sflag:s10], $0x80  }
0x3d: {  	[sflag:s10] =	ssyncset.done @!p1 $0x0  }
0x3e: {  	[sflag:s10] =	ssyncadd.s32 @!p1 $0xFFFFFF80  }
0x3f: {  	[bflag:$0x0] =	sbarrier.arrive $0xFFFF  }
0x40: {  	s17 =	rddreg [dreg:$0x9]  }
0x41: {  	[tilespmem:s4], [sflag:$0x6] =	stream.linear.gather [hbm4b:s17+s4], $0x1400, $0x38;
	[tilespmem:$0x1E5F8] =	vst v63  }
0x42: {  	_ =	swait.ge [sflag:s23], $0x1400  }
0x43: {  	[sflag:s23] =	ssyncset.done $0x0  }
0x44: {  	s18 =	rddreg [dreg:$0xa];
	[sflag:s23] =	ssyncadd.s32 $0xFFFFEC00  }
0x45: {  	[tilespmem:s24], [sflag:$0x6] =	stream.linear.gather [hbm4b:s18+s4], $0x1400, $0x38;
	[tilespmem:$0x1E5F8] =	vst v63  }
0x46: {  	_ =	swait.ge [sflag:s23], $0x1400  }
0x47: {  	[sflag:s23] =	ssyncset.done $0x0  }
0x48: {  	[sflag:s23] =	ssyncadd.s32 $0xFFFFEC00  }
0x49: {  	[tilespmem:s26], [sflag:$0x1] =	stream.indirect.gather [hbm4b:s5+s25], $0x80, s4, s25, $0xb8;
	[tilespmem:$0x1E5F8] =	vst v63  }
0x4a: {  	_ = 	snop  }
0x4b: {  	[tilespmem:s28], [sflag:$0x2] =	stream.indirect.gather [hbm4b:s5+s25], $0x80, s25, s25, $0xb8;
	[tilespmem:$0x1E5F8] =	vst v63  }
0x4c: {  	_ =	swait.ge [sflag:s29], $0x4000  }
0x4d: {  	[sflag:s29] =	ssyncset.done $0x0  }
0x4e: {  	s19 =	simm.s32 $0x1;
	[sflag:s29] =	ssyncadd.s32 $0xFFFFC000  }
0x4f: {  	[spmem:s2] =	stream.indirect.scatter.add.f32 [tilespmem:s26], [sflag:$0x3], $0x80, s24, s25, $0xb8;
	[tilespmem:$0x1E5F8] =	vst v63  }
0x50: {  	s7 =	simm.s32 @!p2 $0x80;
	s12 =	simm.s32 @!p2 $0x1400;
	s10 =	simm.s32 @!p2 $0x1E100  }
0x51: {  	[spmem:s3] =	stream.indirect.scatter.add.f32 @!p2 [tilespmem:s10], [sflag:$0x5], $0x1, s12, s7, $0xb8;
	[tilespmem:$0x1E5F8] =	vst v63  }
0x52: {  	s12 =	sand.u32 $0x1, s19  }
0x53: {  	p4 =	seq.s32 s12, $0x1  }
0x54: {  	s12 =	simm.s32 @p4 $0x3  }
0x55: {  	_ =	swait.ge @p4 [sflag:s12], $0x4000  }
0x56: {  	s14 =	simm.s32 $0x100;
	s16 =	simm.s32 @p4 $0x2;
	[sflag:s12] =	ssyncset.done @p4 $0x0  }
0x57: {  	s15 =	simm.s32 @p4 $0x2800;
	[sflag:s12] =	ssyncadd.s32 @p4 $0xFFFFC000;
	s12 =	simm.s32 @p4 $0x80  }
0x58: {  	[tilespmem:s15], [sflag:$0x1] =	stream.indirect.gather @p4 [hbm4b:s5+s12], $0x80, s14, s12, $0xb8;
	[tilespmem:$0x1E5F8] =	vst v63  }
0x59: {  	_ =	swait.ge @p4 [sflag:s16], $0x4000  }
0x5a: {  	s17 =	simm.s32 @!p4 $0x4;
	[sflag:s16] =	ssyncset.done @p4 $0x0  }
0x5b: {  	s15 =	simm.s32 $0x1480;
	[sflag:s16] =	ssyncadd.s32 @p4 $0xFFFFC000;
	s16 =	simm.s32 @p4 $0x6800  }
0x5c: {  	[spmem:s2] =	stream.indirect.scatter.add.f32 @p4 [tilespmem:s16], [sflag:$0x4], $0x80, s15, s12, $0xb8;
	[tilespmem:$0x1E5F8] =	vst v63  }
0x5d: {  	_ =	swait.ge @!p4 [sflag:s17], $0x4000  }
0x5e: {  	s18 =	simm.s32 @!p4 $0x80;
	[sflag:s17] =	ssyncset.done @!p4 $0x0  }
0x5f: {  	s12 =	simm.s32 @!p4 $0x1;
	s16 =	simm.s32 @!p4 $0x6800;
	[sflag:s17] =	ssyncadd.s32 @!p4 $0xFFFFC000  }
0x60: {  	[tilespmem:s16], [sflag:$0x2] =	stream.indirect.gather @!p4 [hbm4b:s5+s18], $0x80, s14, s18, $0xb8;
	[tilespmem:$0x1E5F8] =	vst v63  }
0x61: {  	s20 =	simm.s32 $0x2;
	_ =	swait.ge @!p4 [sflag:s12], $0x4000  }
0x62: {  	s21 =	sand.u32 $0x1, s20;
	[sflag:s12] =	ssyncset.done @!p4 $0x0  }
0x63: {  	s17 =	simm.s32 @!p2 $0x5;
	[sflag:s12] =	ssyncadd.s32 @!p4 $0xFFFFC000;
	s12 =	simm.s32 @!p4 $0x2800  }
0x64: {  	[spmem:s2] =	stream.indirect.scatter.add.f32 @!p4 [tilespmem:s12], [sflag:$0x3], $0x80, s15, s18, $0xb8;
	[tilespmem:$0x1E5F8] =	vst v63  }
0x65: {  	s16 =	simm.s32 $0x3;
	s14 =	simm.s32 $0x180;
	_ =	swait.ge @!p2 [sflag:s17], $0x80  }
0x66: {  	p4 =	seq.s32 s21, $0x1;
	s12 =	simm.s32 $0x1500;
	[sflag:s17] =	ssyncset.done @!p2 $0x0  }
.LBB2_4:
0x67: {  	s18 =	simm.s32 @p4 $0x3  }
0x68: {  	[sflag:s17] =	ssyncadd.s32 @!p2 $0xFFFFFF80;
	s19 =	smov.u32 s16;
	s16 =	sadd.s32 $0x1, s16  }
0x69: {  	[spmem:s3] =	stream.indirect.scatter.add.f32 @!p2 [tilespmem:s10], [sflag:$0x5], $0x1, s15, s7, $0xb8;
	[tilespmem:$0x1E5F8] =	vst v63  }
0x6a: {  	p5 =	sne.s32 s16, $0x27;
	s15 =	smov.u32 s12;
	_ =	swait.ge @p4 [sflag:s18], $0x4000  }
0x6b: {  	s20 =	simm.s32 @p4 $0x2;
	[sflag:s18] =	ssyncset.done @p4 $0x0  }
0x6c: {  	s21 =	simm.s32 @p4 $0x2800;
	[sflag:s18] =	ssyncadd.s32 @p4 $0xFFFFC000;
	s18 =	simm.s32 @p4 $0x80  }
0x6d: {  	[tilespmem:s21], [sflag:$0x1] =	stream.indirect.gather @p4 [hbm4b:s5+s18], $0x80, s14, s18, $0xb8;
	[tilespmem:$0x1E5F8] =	vst v63  }
0x6e: {  	_ =	swait.ge @p4 [sflag:s20], $0x4000  }
0x6f: {  	[sflag:s20] =	ssyncset.done @p4 $0x0  }
0x70: {  	s21 =	simm.s32 @!p4 $0x4;
	[sflag:s20] =	ssyncadd.s32 @p4 $0xFFFFC000;
	s20 =	simm.s32 @p4 $0x6800  }
0x71: {  	[spmem:s2] =	stream.indirect.scatter.add.f32 @p4 [tilespmem:s20], [sflag:$0x4], $0x80, s12, s18, $0xb8;
	[tilespmem:$0x1E5F8] =	vst v63  }
0x72: {  	_ =	swait.ge @!p4 [sflag:s21], $0x4000  }
0x73: {  	s18 =	simm.s32 @!p4 $0x1;
	[sflag:s21] =	ssyncset.done @!p4 $0x0  }
0x74: {  	s20 =	simm.s32 @!p4 $0x80;
	[sflag:s21] =	ssyncadd.s32 @!p4 $0xFFFFC000;
	s21 =	simm.s32 @!p4 $0x6800  }
0x75: {  	[tilespmem:s21], [sflag:$0x2] =	stream.indirect.gather @!p4 [hbm4b:s5+s20], $0x80, s14, s20, $0xb8;
	[tilespmem:$0x1E5F8] =	vst v63  }
0x76: {  	_ =	swait.ge @!p4 [sflag:s18], $0x4000  }
.Ltmp1:
0x77: {  	[sflag:s18] =	ssyncset.done @!p4 $0x0;
	(pc) =	sbr.rel @p5 .LBB2_4-.Ltmp1, $4  }
0x78: {  	[sflag:s18] =	ssyncadd.s32 @!p4 $0xFFFFC000;
	s18 =	simm.s32 @!p4 $0x2800  }
0x79: {  	[spmem:s2] =	stream.indirect.scatter.add.f32 @!p4 [tilespmem:s18], [sflag:$0x3], $0x80, s12, s20, $0xb8;
	[tilespmem:$0x1E5F8] =	vst v63  }
0x7a: {  	s14 =	sadd.s32 $0x80, s14;
	s18 =	sand.u32 $0x1, s19;
	_ =	swait.ge @!p2 [sflag:s17], $0x80  }
0x7b: {  	s12 =	sadd.s32 $0x80, s12;
	p4 =	seq.s32 s18, $0x1;
	[sflag:s17] =	ssyncset.done @!p2 $0x0  }
0x7c: {  	s16 =	simm.s32 @p4 $0x3;
	[sflag:s17] =	ssyncadd.s32 @!p2 $0xFFFFFF80  }
0x7d: {  	[spmem:s3] =	stream.indirect.scatter.add.f32 @!p2 [tilespmem:s10], [sflag:$0x5], $0x1, s15, s7, $0xb8;
	[tilespmem:$0x1E5F8] =	vst v63  }
0x7e: {  	_ =	swait.ge @p4 [sflag:s16], $0x4000  }
0x7f: {  	s17 =	simm.s32 @p4 $0x2800;
	[sflag:s16] =	ssyncset.done @p4 $0x0  }
0x80: {  	s15 =	simm.s32 @p4 $0x2;
	[sflag:s16] =	ssyncadd.s32 @p4 $0xFFFFC000;
	s16 =	simm.s32 @p4 $0x80  }
0x81: {  	[tilespmem:s17], [sflag:$0x1] =	stream.indirect.gather @p4 [hbm4b:s5+s16], $0x80, s14, s16, $0xb8;
	[tilespmem:$0x1E5F8] =	vst v63  }
0x82: {  	_ =	swait.ge @p4 [sflag:s15], $0x4000  }
0x83: {  	[sflag:s15] =	ssyncset.done @p4 $0x0  }
0x84: {  	s17 =	simm.s32 @!p4 $0x4;
	[sflag:s15] =	ssyncadd.s32 @p4 $0xFFFFC000;
	s15 =	simm.s32 @p4 $0x6800  }
0x85: {  	[spmem:s2] =	stream.indirect.scatter.add.f32 @p4 [tilespmem:s15], [sflag:$0x4], $0x80, s12, s16, $0xb8;
	[tilespmem:$0x1E5F8] =	vst v63  }
0x86: {  	_ =	swait.ge @!p4 [sflag:s17], $0x4000  }
0x87: {  	s15 =	simm.s32 @!p4 $0x1;
	[sflag:s17] =	ssyncset.done @!p4 $0x0  }
0x88: {  	s16 =	simm.s32 @!p4 $0x80;
	[sflag:s17] =	ssyncadd.s32 @!p4 $0xFFFFC000;
	s17 =	simm.s32 @!p4 $0x6800  }
0x89: {  	[tilespmem:s17], [sflag:$0x2] =	stream.indirect.gather @!p4 [hbm4b:s5+s16], $0x80, s14, s16, $0xb8;
	[tilespmem:$0x1E5F8] =	vst v63  }
0x8a: {  	_ =	swait.ge @!p4 [sflag:s15], $0x4000  }
0x8b: {  	[sflag:s15] =	ssyncset.done @!p4 $0x0  }
0x8c: {  	s14 =	simm.s32 @!p4 $0x2800;
	[sflag:s15] =	ssyncadd.s32 @!p4 $0xFFFFC000;
	s15 =	simm.s32 @!p2 $0x5  }
0x8d: {  	[spmem:s2] =	stream.indirect.scatter.add.f32 @!p4 [tilespmem:s14], [sflag:$0x3], $0x80, s12, s16, $0xb8;
	[tilespmem:$0x1E5F8] =	vst v63  }
0x8e: {  	_ =	swait.ge @!p2 [sflag:s15], $0x80  }
0x8f: {  	[sflag:s15] =	ssyncset.done @!p2 $0x0  }
0x90: {  	[sflag:s15] =	ssyncadd.s32 @!p2 $0xFFFFFF80  }
0x91: {  	[spmem:s3] =	stream.indirect.scatter.add.f32 @!p2 [tilespmem:s10], [sflag:$0x5], $0x1, s12, s7, $0xb8;
	[tilespmem:$0x1E5F8] =	vst v63  }
0x92: {  	_ =	swait.ge [sflag:s30], $0x4000  }
0x93: {  	[sflag:s30] =	ssyncset.done $0x0  }
0x94: {  	[sflag:s30] =	ssyncadd.s32 $0xFFFFC000  }
0x95: {  	_ =	swait.ge [sflag:s31], $0x4000  }
0x96: {  	[sflag:s31] =	ssyncset.done $0x0  }
0x97: {  	s7 =	simm.s32 @p2 $0x4;
	[sflag:s31] =	ssyncadd.s32 $0xFFFFC000  }
0x98: {  	[spmem:s2] =	stream.indirect.scatter.add.f32 [tilespmem:s28], [sflag:$0x4], $0x80, s0, s25, $0xb8;
	[tilespmem:$0x1E5F8] =	vst v63  }
0x99: {  	_ =	swait.ge @p2 [sflag:s7], $0x4000  }
0x9a: {  	[sflag:s7] =	ssyncset.done @p2 $0x0  }
0x9b: {  	[sflag:s7] =	ssyncadd.s32 @p2 $0xFFFFC000  }
0x9c: {  	_ =	swait.ge @!p2 [sflag:s15], $0x80  }
0x9d: {  	s10 =	simm.s32 @!p2 $0x2780;
	[sflag:s15] =	ssyncset.done @!p2 $0x0  }
0x9e: {  	s12 =	simm.s32 @!p2 $0x1E100;
	s7 =	simm.s32 @!p2 $0x80;
	[sflag:s15] =	ssyncadd.s32 @!p2 $0xFFFFFF80  }
0x9f: {  	[spmem:s3] =	stream.indirect.scatter.add.f32 @!p2 [tilespmem:s12], [sflag:$0x5], $0x1, s10, s7, $0xb8;
	[tilespmem:$0x1E5F8] =	vst v63  }
0xa0: {  	s7 =	simm.s32 @!p2 $0x4  }
0xa1: {  	_ =	swait.ge @!p2 [sflag:s7], $0x4000  }
0xa2: {  	[sflag:s7] =	ssyncset.done @!p2 $0x0  }
0xa3: {  	[sflag:s7] =	ssyncadd.s32 @!p2 $0xFFFFC000  }
0xa4: {  	_ =	swait.ge @!p2 [sflag:s15], $0x80  }
0xa5: {  	[sflag:s15] =	ssyncset.done @!p2 $0x0  }
0xa6: {  	s17 =	rddreg [dreg:$0xb];
	[sflag:s15] =	ssyncadd.s32 @!p2 $0xFFFFFF80  }
0xa7: {  	[tilespmem:s4], [sflag:$0x6] =	stream.linear.gather [hbm4b:s17+s4], $0x1400, $0x38;
	[tilespmem:$0x1E5F8] =	vst v63  }
0xa8: {  	_ =	swait.ge [sflag:s23], $0x1400  }
0xa9: {  	[sflag:s23] =	ssyncset.done $0x0  }
0xaa: {  	s18 =	rddreg [dreg:$0xc];
	[sflag:s23] =	ssyncadd.s32 $0xFFFFEC00  }
0xab: {  	[tilespmem:s24], [sflag:$0x6] =	stream.linear.gather [hbm4b:s18+s4], $0x1400, $0x38;
	[tilespmem:$0x1E5F8] =	vst v63  }
0xac: {  	_ =	swait.ge [sflag:s23], $0x1400  }
0xad: {  	[sflag:s23] =	ssyncset.done $0x0  }
0xae: {  	[sflag:s23] =	ssyncadd.s32 $0xFFFFEC00  }
0xaf: {  	[tilespmem:s26], [sflag:$0x1] =	stream.indirect.gather [hbm4b:s5+s25], $0x80, s4, s25, $0xb8;
	[tilespmem:$0x1E5F8] =	vst v63  }
0xb0: {  	_ = 	snop  }
0xb1: {  	[tilespmem:s28], [sflag:$0x2] =	stream.indirect.gather [hbm4b:s5+s25], $0x80, s25, s25, $0xb8;
	[tilespmem:$0x1E5F8] =	vst v63  }
0xb2: {  	_ =	swait.ge [sflag:s29], $0x4000  }
0xb3: {  	[sflag:s29] =	ssyncset.done $0x0  }
0xb4: {  	s19 =	simm.s32 $0x1;
	[sflag:s29] =	ssyncadd.s32 $0xFFFFC000  }
0xb5: {  	[spmem:s2] =	stream.indirect.scatter.add.f32 [tilespmem:s26], [sflag:$0x3], $0x80, s24, s25, $0xb8;
	[tilespmem:$0x1E5F8] =	vst v63  }
0xb6: {  	s12 =	simm.s32 @!p3 $0x1400;
	s10 =	simm.s32 @!p3 $0x1E100;
	s7 =	simm.s32 @!p3 $0x80  }
0xb7: {  	[spmem:s3] =	stream.indirect.scatter.add.f32 @!p3 [tilespmem:s10], [sflag:$0x5], $0x1, s12, s7, $0xb8;
	[tilespmem:$0x1E5F8] =	vst v63  }
0xb8: {  	s12 =	sand.u32 $0x1, s19  }
0xb9: {  	p4 =	seq.s32 s12, $0x1  }
0xba: {  	s12 =	simm.s32 @p4 $0x3  }
0xbb: {  	_ =	swait.ge @p4 [sflag:s12], $0x4000  }
0xbc: {  	s15 =	simm.s32 $0x100;
	s16 =	simm.s32 @p4 $0x2;
	[sflag:s12] =	ssyncset.done @p4 $0x0  }
0xbd: {  	s14 =	simm.s32 @p4 $0x2800;
	[sflag:s12] =	ssyncadd.s32 @p4 $0xFFFFC000;
	s12 =	simm.s32 @p4 $0x80  }
0xbe: {  	[tilespmem:s14], [sflag:$0x1] =	stream.indirect.gather @p4 [hbm4b:s5+s12], $0x80, s15, s12, $0xb8;
	[tilespmem:$0x1E5F8] =	vst v63  }
0xbf: {  	_ =	swait.ge @p4 [sflag:s16], $0x4000  }
0xc0: {  	s17 =	simm.s32 @!p4 $0x4;
	[sflag:s16] =	ssyncset.done @p4 $0x0  }
0xc1: {  	s14 =	simm.s32 $0x1480;
	[sflag:s16] =	ssyncadd.s32 @p4 $0xFFFFC000;
	s16 =	simm.s32 @p4 $0x6800  }
0xc2: {  	[spmem:s2] =	stream.indirect.scatter.add.f32 @p4 [tilespmem:s16], [sflag:$0x4], $0x80, s14, s12, $0xb8;
	[tilespmem:$0x1E5F8] =	vst v63  }
0xc3: {  	_ =	swait.ge @!p4 [sflag:s17], $0x4000  }
0xc4: {  	s18 =	simm.s32 @!p4 $0x80;
	[sflag:s17] =	ssyncset.done @!p4 $0x0  }
0xc5: {  	s12 =	simm.s32 @!p4 $0x1;
	s16 =	simm.s32 @!p4 $0x6800;
	[sflag:s17] =	ssyncadd.s32 @!p4 $0xFFFFC000  }
0xc6: {  	[tilespmem:s16], [sflag:$0x2] =	stream.indirect.gather @!p4 [hbm4b:s5+s18], $0x80, s15, s18, $0xb8;
	[tilespmem:$0x1E5F8] =	vst v63  }
0xc7: {  	s20 =	simm.s32 $0x2;
	_ =	swait.ge @!p4 [sflag:s12], $0x4000  }
0xc8: {  	s21 =	sand.u32 $0x1, s20;
	[sflag:s12] =	ssyncset.done @!p4 $0x0  }
0xc9: {  	s17 =	simm.s32 @!p3 $0x5;
	[sflag:s12] =	ssyncadd.s32 @!p4 $0xFFFFC000;
	s12 =	simm.s32 @!p4 $0x2800  }
0xca: {  	[spmem:s2] =	stream.indirect.scatter.add.f32 @!p4 [tilespmem:s12], [sflag:$0x3], $0x80, s14, s18, $0xb8;
	[tilespmem:$0x1E5F8] =	vst v63  }
0xcb: {  	s16 =	simm.s32 $0x3;
	s15 =	simm.s32 $0x180;
	_ =	swait.ge @!p3 [sflag:s17], $0x80  }
0xcc: {  	p4 =	seq.s32 s21, $0x1;
	s12 =	simm.s32 $0x1500;
	[sflag:s17] =	ssyncset.done @!p3 $0x0  }
.LBB2_6:
0xcd: {  	s18 =	simm.s32 @p4 $0x3  }
0xce: {  	[sflag:s17] =	ssyncadd.s32 @!p3 $0xFFFFFF80;
	s19 =	smov.u32 s16;
	s16 =	sadd.s32 $0x1, s16  }
0xcf: {  	[spmem:s3] =	stream.indirect.scatter.add.f32 @!p3 [tilespmem:s10], [sflag:$0x5], $0x1, s14, s7, $0xb8;
	[tilespmem:$0x1E5F8] =	vst v63  }
0xd0: {  	p5 =	sne.s32 s16, $0x27;
	s14 =	smov.u32 s12;
	_ =	swait.ge @p4 [sflag:s18], $0x4000  }
0xd1: {  	s20 =	simm.s32 @p4 $0x2;
	[sflag:s18] =	ssyncset.done @p4 $0x0  }
0xd2: {  	s21 =	simm.s32 @p4 $0x2800;
	[sflag:s18] =	ssyncadd.s32 @p4 $0xFFFFC000;
	s18 =	simm.s32 @p4 $0x80  }
0xd3: {  	[tilespmem:s21], [sflag:$0x1] =	stream.indirect.gather @p4 [hbm4b:s5+s18], $0x80, s15, s18, $0xb8;
	[tilespmem:$0x1E5F8] =	vst v63  }
0xd4: {  	_ =	swait.ge @p4 [sflag:s20], $0x4000  }
0xd5: {  	[sflag:s20] =	ssyncset.done @p4 $0x0  }
0xd6: {  	s21 =	simm.s32 @!p4 $0x4;
	[sflag:s20] =	ssyncadd.s32 @p4 $0xFFFFC000;
	s20 =	simm.s32 @p4 $0x6800  }
0xd7: {  	[spmem:s2] =	stream.indirect.scatter.add.f32 @p4 [tilespmem:s20], [sflag:$0x4], $0x80, s12, s18, $0xb8;
	[tilespmem:$0x1E5F8] =	vst v63  }
0xd8: {  	_ =	swait.ge @!p4 [sflag:s21], $0x4000  }
0xd9: {  	s18 =	simm.s32 @!p4 $0x1;
	[sflag:s21] =	ssyncset.done @!p4 $0x0  }
0xda: {  	s20 =	simm.s32 @!p4 $0x80;
	[sflag:s21] =	ssyncadd.s32 @!p4 $0xFFFFC000;
	s21 =	simm.s32 @!p4 $0x6800  }
0xdb: {  	[tilespmem:s21], [sflag:$0x2] =	stream.indirect.gather @!p4 [hbm4b:s5+s20], $0x80, s15, s20, $0xb8;
	[tilespmem:$0x1E5F8] =	vst v63  }
0xdc: {  	_ =	swait.ge @!p4 [sflag:s18], $0x4000  }
.Ltmp2:
0xdd: {  	[sflag:s18] =	ssyncset.done @!p4 $0x0;
	(pc) =	sbr.rel @p5 .LBB2_6-.Ltmp2, $4  }
0xde: {  	[sflag:s18] =	ssyncadd.s32 @!p4 $0xFFFFC000;
	s18 =	simm.s32 @!p4 $0x2800  }
0xdf: {  	[spmem:s2] =	stream.indirect.scatter.add.f32 @!p4 [tilespmem:s18], [sflag:$0x3], $0x80, s12, s20, $0xb8;
	[tilespmem:$0x1E5F8] =	vst v63  }
0xe0: {  	s15 =	sadd.s32 $0x80, s15;
	s18 =	sand.u32 $0x1, s19;
	_ =	swait.ge @!p3 [sflag:s17], $0x80  }
0xe1: {  	s12 =	sadd.s32 $0x80, s12;
	p4 =	seq.s32 s18, $0x1;
	[sflag:s17] =	ssyncset.done @!p3 $0x0  }
0xe2: {  	[sflag:s17] =	ssyncadd.s32 @!p3 $0xFFFFFF80;
	s16 =	simm.s32 @p4 $0x3  }
0xe3: {  	[spmem:s3] =	stream.indirect.scatter.add.f32 @!p3 [tilespmem:s10], [sflag:$0x5], $0x1, s14, s7, $0xb8;
	[tilespmem:$0x1E5F8] =	vst v63  }
0xe4: {  	_ =	swait.ge @p4 [sflag:s16], $0x4000  }
0xe5: {  	[sflag:s16] =	ssyncset.done @p4 $0x0  }
0xe6: {  	s14 =	simm.s32 @p4 $0x80;
	[sflag:s16] =	ssyncadd.s32 @p4 $0xFFFFC000;
	s16 =	simm.s32 @p4 $0x2800  }
0xe7: {  	[tilespmem:s16], [sflag:$0x1] =	stream.indirect.gather @p4 [hbm4b:s5+s14], $0x80, s15, s14, $0xb8;
	[tilespmem:$0x1E5F8] =	vst v63  }
0xe8: {  	s16 =	simm.s32 @p4 $0x2  }
0xe9: {  	_ =	swait.ge @p4 [sflag:s16], $0x4000  }
0xea: {  	[sflag:s16] =	ssyncset.done @p4 $0x0  }
0xeb: {  	[sflag:s16] =	ssyncadd.s32 @p4 $0xFFFFC000;
	s16 =	simm.s32 @p4 $0x6800  }
0xec: {  	[spmem:s2] =	stream.indirect.scatter.add.f32 @p4 [tilespmem:s16], [sflag:$0x4], $0x80, s12, s14, $0xb8;
	[tilespmem:$0x1E5F8] =	vst v63  }
0xed: {  	s14 =	simm.s32 @!p4 $0x4  }
0xee: {  	_ =	swait.ge @!p4 [sflag:s14], $0x4000  }
0xef: {  	[sflag:s14] =	ssyncset.done @!p4 $0x0  }
0xf0: {  	s16 =	simm.s32 @!p4 $0x6800;
	[sflag:s14] =	ssyncadd.s32 @!p4 $0xFFFFC000;
	s14 =	simm.s32 @!p4 $0x80  }
0xf1: {  	[tilespmem:s16], [sflag:$0x2] =	stream.indirect.gather @!p4 [hbm4b:s5+s14], $0x80, s15, s14, $0xb8;
	[tilespmem:$0x1E5F8] =	vst v63  }
0xf2: {  	s15 =	simm.s32 @!p4 $0x1  }
0xf3: {  	_ =	swait.ge @!p4 [sflag:s15], $0x4000  }
0xf4: {  	[sflag:s15] =	ssyncset.done @!p4 $0x0  }
0xf5: {  	[sflag:s15] =	ssyncadd.s32 @!p4 $0xFFFFC000;
	s15 =	simm.s32 @!p4 $0x2800  }
0xf6: {  	[spmem:s2] =	stream.indirect.scatter.add.f32 @!p4 [tilespmem:s15], [sflag:$0x3], $0x80, s12, s14, $0xb8;
	[tilespmem:$0x1E5F8] =	vst v63  }
0xf7: {  	s14 =	simm.s32 @!p3 $0x5  }
0xf8: {  	_ =	swait.ge @!p3 [sflag:s14], $0x80  }
0xf9: {  	[sflag:s14] =	ssyncset.done @!p3 $0x0  }
0xfa: {  	[sflag:s14] =	ssyncadd.s32 @!p3 $0xFFFFFF80  }
0xfb: {  	[spmem:s3] =	stream.indirect.scatter.add.f32 @!p3 [tilespmem:s10], [sflag:$0x5], $0x1, s12, s7, $0xb8;
	[tilespmem:$0x1E5F8] =	vst v63  }
0xfc: {  	_ =	swait.ge [sflag:s30], $0x4000  }
0xfd: {  	[sflag:s30] =	ssyncset.done $0x0  }
0xfe: {  	[sflag:s30] =	ssyncadd.s32 $0xFFFFC000  }
0xff: {  	_ =	swait.ge [sflag:s31], $0x4000  }
0x100: {  	[sflag:s31] =	ssyncset.done $0x0  }
0x101: {  	s7 =	simm.s32 @p3 $0x4;
	[sflag:s31] =	ssyncadd.s32 $0xFFFFC000  }
0x102: {  	[spmem:s2] =	stream.indirect.scatter.add.f32 [tilespmem:s28], [sflag:$0x4], $0x80, s0, s25, $0xb8;
	[tilespmem:$0x1E5F8] =	vst v63  }
0x103: {  	_ =	swait.ge @p3 [sflag:s7], $0x4000  }
0x104: {  	[sflag:s7] =	ssyncset.done @p3 $0x0  }
0x105: {  	[sflag:s7] =	ssyncadd.s32 @p3 $0xFFFFC000  }
0x106: {  	_ =	swait.ge @!p3 [sflag:s14], $0x80  }
0x107: {  	s10 =	simm.s32 @!p3 $0x2780;
	[sflag:s14] =	ssyncset.done @!p3 $0x0  }
0x108: {  	s12 =	simm.s32 @!p3 $0x1E100;
	s7 =	simm.s32 @!p3 $0x80;
	[sflag:s14] =	ssyncadd.s32 @!p3 $0xFFFFFF80  }
0x109: {  	[spmem:s3] =	stream.indirect.scatter.add.f32 @!p3 [tilespmem:s12], [sflag:$0x5], $0x1, s10, s7, $0xb8;
	[tilespmem:$0x1E5F8] =	vst v63  }
0x10a: {  	s7 =	simm.s32 @!p3 $0x4  }
0x10b: {  	_ =	swait.ge @!p3 [sflag:s7], $0x4000  }
0x10c: {  	[sflag:s7] =	ssyncset.done @!p3 $0x0  }
0x10d: {  	[sflag:s7] =	ssyncadd.s32 @!p3 $0xFFFFC000  }
0x10e: {  	_ =	swait.ge @!p3 [sflag:s14], $0x80  }
0x10f: {  	[sflag:s14] =	ssyncset.done @!p3 $0x0  }
0x110: {  	[sflag:s14] =	ssyncadd.s32 @!p3 $0xFFFFFF80  }
0x111: {  	[bflag:$0x0] =	sbarrier.arrive $0xFFFF  }
0x112: {  	s21 =	rddreg [dreg:$0xd]  }
0x113: {  	[hbm:s21], [sflag:s8] =	dma.local [spmem:s6], $0x2700  }
0x114: {  	_ =	swait.ge [sflag:s23], $0x2700  }
0x115: {  	[sflag:s23] =	ssyncset.done $0x0  }
0x116: {  	s6 =	sshrl.u32 @p1 s9, $0x3;
	s7 =	rddreg [dreg:$0xf];
	[sflag:s23] =	ssyncadd.s32 $0xFFFFD900  }
0x117: {  	[hbm:s7], [sflag:s8] =	dma.local @p1 [spmem:s6], $0x100  }
0x118: {  	s6 =	simm.s32 @p1 $0x6  }
0x119: {  	s1 =	sadd.s32 $0x1, s1;
	s10 =	simm.s32 @p1 $0x1;
	_ =	swait.ge @p1 [sflag:s6], $0x100  }
0x11a: {  	s12 =	simm.s32 @p1 $0x20;
	s14 =	simm.s32 @p1 $0x10;
	[sflag:s6] =	ssyncset.done @p1 $0x0  }
0x11b: {  	s7 =	sshrl.u32 @p1 s13, $0x3;
	s15 =	rddreg [dreg:$0x10];
	[sflag:s6] =	ssyncadd.s32 @p1 $0xFFFFFF00  }
0x11c: {  	[hbm:s15@s12], [sflag:s8] =	dma.strided @p1 [spmem:s7@s14], $0x40, s10, $0x10   }
0x11d: {  	p4 =	sne.s32 s1, s22;
	s7 =	simm.s32 @!p1 $0x1;
	_ =	swait.ge @p1 [sflag:s6], $0x40  }
0x11e: {  	s10 =	simm.s32 @!p1 $0x20;
	s12 =	simm.s32 @!p1 $0x10;
	[sflag:s6] =	ssyncset.done @p1 $0x0  }
0x11f: {  	s14 =	rddreg [dreg:$0xe];
	[sflag:s6] =	ssyncadd.s32 @p1 $0xFFFFFFC0;
	s6 =	sshrl.u32 @!p1 s11, $0x3  }
0x120: {  	[hbm:s14@s10], [sflag:s8] =	dma.strided @!p1 [spmem:s6@s12], $0x50, s7, $0x10   }
.Ltmp3:
0x121: {  	_ = 	snop;
	(pc) =	sbr.rel @p4 .LBB2_1-.Ltmp3, $4  }
0x122: {  	s6 =	simm.s32 @!p1 $0x6  }
0x123: {  	_ =	swait.ge @!p1 [sflag:s6], $0x50  }
0x124: {  	[sflag:s6] =	ssyncset.done @!p1 $0x0  }
0x125: {  	[sflag:s6] =	ssyncadd.s32 @!p1 $0xFFFFFFB0  }
0x126: {  	_ =	sfence.sel $0x180000  }
0x127: {  	[bflag:$0x0] =	sbarrier.arrive $0xFFFF  }
0x128: {  	_ =	strace $0x90000047  }
0x129: {  	s0 =	stileid.u32;
	[bflag:$0x2] =	sbarrier.arrive $0xFFFF  }
0x12a: {  	p0 =	sne.s32 s0, $0x0;
	s0 =	rddreg [dreg:$0x4]  }
0x12b: {  	s0 =	sadd.s32 @!p0 $0x100000, s0  }
0x12c: {  	[sflag:s0] =	ssyncadd.tile.s32 @!p0 $0x1;
	_ =	shalt  }
.Lfunc_end2:
_tile_overlayer_lowered:
.L_overlay_start_2:
0x12d: {  	(tag) =	ssettag $0x2  }
0x12e: {  	s0 =	rddreg [dreg:$0x0];
	s2 =	stileid.u32  }
0x12f: {  	s1 =	rddreg [dreg:$0x1];
	p0 =	sne.s32 s2, $0x0  }
0x130: {  	s3 =	rddreg [dreg:$0x2];
	[bflag:$0x3] =	sbarrier.arrive $0xFFFF;
	s2 =	simm.s32 @!p0 $0x1C06  }
0x131: {  	[timem:s3], [sflag:s2] =	dma.local @!p0 [hbm:s0], s1  }
0x132: {  	s0 =	simm.s32 @!p0 $0x6  }
0x133: {  	_ =	swait.ge @!p0 [sflag:s0], s1  }
0x134: {  	s1 =	ssub.s32 @!p0 $0x0, s1;
	[sflag:s0] =	ssyncset.done @!p0 $0x0  }
0x135: {  	[sflag:s0] =	ssyncadd.s32 @!p0 s1  }
0x136: {  	[bflag:$0x3] =	sbarrier.arrive $0xFFFF  }
0x137: {  	_ =	shalt  }

</sc_bundles>
